<compile_context>
chip_gen: v7x
topology: tpu7x:2x2x1
jax: 0.10.2.dev20260603
libtpu: 0.0.44.dev20260713+nightly
codegen_flags: <defaults>
</compile_context>

<pallas_src>
import jax
import jax.numpy as jnp
from jax import lax
from jax.experimental import pallas as pl
from jax.experimental.pallas import tpu as pltpu
from jax.experimental.pallas import tpu_sc as plsc

N_NODES = 10000
D = 128
N_EDGES = 320000

NC = 2
NS = 16
K = 128
CPS = 160
E_PAD = NS * CPS * K
M_PAD = 10240
HR = M_PAD // NC
HRP = HR + 8
RPT = HR // NS
SCHUNKS = ((0, 160), (160, 160))
DROWS = M_PAD // K


def _sc_body(x_hbm, srcm, dstm, acc_out,
             src_v, dst_v, dloc_v, rows_v, sbuf_v, hist_v, rid_v, acc_sh,
             deg_sh, sem):
    c = lax.axis_index("c")
    s = lax.axis_index("s")
    base_c = c * HR

    pltpu.sync_copy(srcm.at[pl.ds(s * CPS, CPS)], src_v)
    pltpu.sync_copy(dstm.at[pl.ds(s * CPS, CPS)], dst_v)

    def zero_hist(i, carry):
        for k in range(D // 16):
            hist_v[i, pl.ds(k * 16, 16)] = jnp.zeros((16,), jnp.float32)
        return carry
    lax.fori_loop(0, DROWS, zero_hist, None)

    def fill_rid(i, carry):
        rid_v[pl.ds(i * 16, 16)] = lax.iota(jnp.int32, 16) + i * 16
        return carry
    lax.fori_loop(0, DROWS // 16, fill_rid, None)

    def zero_sbuf(i, carry):
        for k in range(D // 16):
            sbuf_v[i, pl.ds(k * 16, 16)] = jnp.zeros((16,), jnp.float32)
        return carry
    lax.fori_loop(0, 160, zero_sbuf, None)

    for off, ln in SCHUNKS:
        pltpu.sync_copy(sbuf_v.at[pl.ds(0, ln)],
                        acc_sh.at[pl.ds(s * RPT + off, ln)])

    @pl.when(s == 0)
    def _zero_tail():
        pltpu.sync_copy(sbuf_v.at[pl.ds(0, 8)], acc_sh.at[pl.ds(HR, 8)])
        pltpu.sync_copy(sbuf_v.at[pl.ds(0, DROWS)], deg_sh)
    plsc.subcore_barrier()

    def step(j, carry):
        cp = pltpu.async_copy(x_hbm.at[src_v.at[j]], rows_v, sem)
        for k in range(K // 16):
            sl = pl.ds(k * 16, 16)
            d = dst_v[j, sl]
            cnt, last = plsc.scan_count(d)
            plsc.addupdate_scatter(hist_v,
                                   [lax.shift_right_logical(d, 7),
                                    lax.bitwise_and(d, 127)],
                                   cnt.astype(jnp.float32), mask=last)
            loc = d - base_c
            inr = jnp.logical_and(loc >= 0, loc < HR)
            dloc_v[sl] = jnp.where(inr, loc, HR)
        cp.wait()
        pltpu.sync_copy(rows_v, acc_sh.at[dloc_v], add=True)
        return carry
    lax.fori_loop(0, CPS, step, None)

    pltpu.sync_copy(hist_v, deg_sh.at[rid_v], add=True)
    plsc.subcore_barrier()
    pltpu.sync_copy(deg_sh, hist_v)

    for off, ln in SCHUNKS:
        pltpu.sync_copy(acc_sh.at[pl.ds(s * RPT + off, ln)],
                        sbuf_v.at[pl.ds(0, ln)])

        def scale_row(r, carry, off=off):
            flat = base_c + s * RPT + off + r
            row = jnp.full((16,), lax.shift_right_logical(flat, 7), jnp.int32)
            lane = jnp.full((16,), lax.bitwise_and(flat, 127), jnp.int32)
            dv = plsc.load_gather(hist_v, [row, lane])
            rec = 1.0 / jnp.maximum(dv, 1.0)
            for k in range(D // 16):
                sl = pl.ds(k * 16, 16)
                sbuf_v[r, sl] = sbuf_v[r, sl] * rec
            return carry
        lax.fori_loop(0, ln, scale_row, None)
        pltpu.sync_copy(sbuf_v.at[pl.ds(0, ln)],
                        acc_out.at[c, pl.ds(s * RPT + off, ln)])


def _sc_aggregate(x, srcm, dstm):
    mesh = plsc.VectorSubcoreMesh(core_axis_name="c", subcore_axis_name="s")
    return pl.kernel(
        _sc_body,
        out_type=jax.ShapeDtypeStruct((NC, HR, D), jnp.float32),
        mesh=mesh,
        scratch_types=[
            pltpu.VMEM((CPS, K), jnp.int32),
            pltpu.VMEM((CPS, K), jnp.int32),
            pltpu.VMEM((K,), jnp.int32),
            pltpu.VMEM((K, D), jnp.float32),
            pltpu.VMEM((160, D), jnp.float32),
            pltpu.VMEM((DROWS, D), jnp.float32),
            pltpu.VMEM((DROWS,), jnp.int32),
            pltpu.VMEM_SHARED((HRP, D), jnp.float32),
            pltpu.VMEM_SHARED((DROWS, D), jnp.float32),
            pltpu.SemaphoreType.DMA,
        ],
        compiler_params=pltpu.CompilerParams(
            use_tc_tiling_on_sc=False, needs_layout_passes=False),
    )(x, srcm, dstm)


def _tc_body(x_ref, p_ref, w_ref, b_ref, o_ref):
    h = (jnp.dot(x_ref[...], w_ref[0:D, :], preferred_element_type=jnp.float32)
         + jnp.dot(p_ref[0], w_ref[D:, :], preferred_element_type=jnp.float32)
         + b_ref[...])
    o_ref[...] = jnp.maximum(h, 0.0)


def _tc_linear(xp, acc, W, b):
    bm = 640
    nb = HR // bm
    return pl.pallas_call(
        _tc_body,
        grid=(M_PAD // bm,),
        in_specs=[
            pl.BlockSpec((bm, D), lambda i: (i, 0)),
            pl.BlockSpec((1, bm, D), lambda i: (i // nb, i % nb, 0)),
            pl.BlockSpec((2 * D, D), lambda i: (0, 0)),
            pl.BlockSpec((1, D), lambda i: (0, 0)),
        ],
        out_specs=pl.BlockSpec((bm, D), lambda i: (i, 0)),
        out_shape=jax.ShapeDtypeStruct((M_PAD, D), jnp.float32),
    )(xp, acc, W, b.reshape(1, D))


def kernel(x, edge_index, W, b):
    src = edge_index[0].astype(jnp.int32)
    dst = edge_index[1].astype(jnp.int32)
    pad = E_PAD - N_EDGES
    srcm = jnp.concatenate([src, jnp.zeros((pad,), jnp.int32)]).reshape(-1, K)
    dstm = jnp.concatenate(
        [dst, jnp.full((pad,), N_NODES, jnp.int32)]).reshape(-1, K)
    xp = jnp.concatenate([x, jnp.zeros((M_PAD - N_NODES, D), x.dtype)])
    xp, srcm, dstm = lax.optimization_barrier((xp, srcm, dstm))
    acc = _sc_aggregate(xp, srcm, dstm)
    return _tc_linear(xp, acc, W, b)[:N_NODES]

# --- scband reference (transcript-rebuilt; emitter-appended) ---
"""Pipeline reference for scband-graph-sagewrapper-23819888623682 (READ-ONLY COPY).

The authoritative reference and input builder live on the scoring server;
editing this copy changes nothing except your own understanding.
"""

import jax, jax.numpy as jnp
import numpy as np

N_NODES = 10000
D_IN = 128
D_OUT = 128
N_EDGES = 320000

def setup_inputs(seed: int = 0) -> dict:
    key = jax.random.key(seed)
    k1, k2, k3, k4 = jax.random.split(key, 4)
    x = jax.random.normal(k1, (N_NODES, D_IN), dtype=jnp.float32)
    edge_index = jax.random.randint(k2, (2, N_EDGES), 0, N_NODES, dtype=jnp.int64)
    # Linear applied to concat([self, aggregated_neighbors]) -> [2*D_IN, D_OUT]
    W = jax.random.normal(k3, (2 * D_IN, D_OUT), dtype=jnp.float32) * (1.0 / np.sqrt(2 * D_IN))
    b = jax.random.normal(k4, (D_OUT,), dtype=jnp.float32) * 0.01
    return {"x": x, "edge_index": edge_index, "W": W, "b": b}

def reference(x, edge_index, W, b):
    # GraphSAGE with mean aggregator, dropout=0.0 (identity at eval).
    src = edge_index[0]
    dst = edge_index[1]
    msgs = jnp.take(x, src, axis=0)                       # gather neighbor features [E, D_IN]
    agg_sum = jax.ops.segment_sum(msgs, dst, num_segments=x.shape[0])
    deg = jax.ops.segment_sum(jnp.ones((msgs.shape[0],), dtype=x.dtype), dst, num_segments=x.shape[0])
    agg = agg_sum / jnp.maximum(deg, 1.0)[:, None]        # mean aggregation
    h = jnp.concatenate([x, agg], axis=-1) @ W + b        # linear on [self || agg]
    out = jax.nn.relu(h)
    # dropout p=0.0 -> identity
    return out

if __name__ == "__main__":
    import jax
    _d = setup_inputs()
    print(jax.jit(kernel)(*tuple(_d.values())))

</pallas_src>

<mosaic_0001>
#map = affine_map<(d0, d1) -> (0, 0)>
#map1 = affine_map<(d0, d1) -> (0, 0, 0)>
module attributes {stable_mosaic.version = 14 : i64} {
  func.func @_sc_body(%arg0: i32, %arg1: i32, %arg2: memref<10240x128xf32, #tpu.memory_space<hbm>>, %arg3: memref<2560x128xi32, #tpu.memory_space<hbm>>, %arg4: memref<2560x128xi32, #tpu.memory_space<hbm>>, %arg5: memref<2x5120x128xf32, #tpu.memory_space<hbm>>, %arg6: memref<160x128xi32, #tpu.memory_space<vmem>>, %arg7: memref<160x128xi32, #tpu.memory_space<vmem>>, %arg8: memref<128xi32, #tpu.memory_space<vmem>>, %arg9: memref<128x128xf32, #tpu.memory_space<vmem>>, %arg10: memref<160x128xf32, #tpu.memory_space<vmem>>, %arg11: memref<80x128xf32, #tpu.memory_space<vmem>>, %arg12: memref<80xi32, #tpu.memory_space<vmem>>, %arg13: memref<5128x128xf32, #tpu.memory_space<vmem_shared>>, %arg14: memref<80x128xf32, #tpu.memory_space<vmem_shared>>, %arg15: memref<!tpu.dma_semaphore, #tpu.memory_space<semaphore_mem>>) attributes {dimension_semantics = [#tpu.dimension_semantics<core_parallel>, #tpu.dimension_semantics<subcore_parallel>], iteration_bounds = array<i64: 2, 16>, scalar_prefetch = 0 : i64, scratch_operands = 10 : i64, tpu.core_type = #tpu.core_type<sc_vector_subcore>, window_params = [{transform_indices = #map}, {transform_indices = #map}, {transform_indices = #map}, {transform_indices = #map1}]} {
    %mul3A = arith.constant 5120 : i32
    %mul3A_0 = arith.muli %arg0, %mul3A : i32
    %mul3A_1 = arith.constant 160 : i32
    %mul3A_2 = arith.muli %arg1, %mul3A_1 : i32
    "tpu.region"() ({
      %run_scoped3A = tpu.sem_alloc : memref<!tpu.dma_semaphore, #tpu.memory_space<semaphore_mem>>
      %dma_start3A = arith.constant 0 : i32
      %dma_start3A_60 = tpu.memref_slice %arg3[%mul3A_2, %dma_start3A] : memref<2560x128xi32, #tpu.memory_space<hbm>> -> memref<160x128xi32, #tpu.memory_space<hbm>>
      %dma_start3A_61 = arith.constant 0 : i32
      %dma_start3A_62 = tpu.memref_slice %arg3[%mul3A_2, %dma_start3A_61] : memref<2560x128xi32, #tpu.memory_space<hbm>> -> memref<160x128xi32, #tpu.memory_space<hbm>>
      tpu.enqueue_dma source(%dma_start3A_62 : memref<160x128xi32, #tpu.memory_space<hbm>>) target(%arg6 : memref<160x128xi32, #tpu.memory_space<vmem>>) target_semaphore(%run_scoped3A : memref<!tpu.dma_semaphore, #tpu.memory_space<semaphore_mem>>)
      %dma_wait3A = arith.constant 0 : i32
      %dma_wait3A_63 = tpu.memref_slice %arg3[%mul3A_2, %dma_wait3A] : memref<2560x128xi32, #tpu.memory_space<hbm>> -> memref<160x128xi32, #tpu.memory_space<hbm>>
      %dma_wait3A_64 = arith.constant 0 : i32
      %dma_wait3A_65 = tpu.memref_slice %arg3[%mul3A_2, %dma_wait3A_64] : memref<2560x128xi32, #tpu.memory_space<hbm>> -> memref<160x128xi32, #tpu.memory_space<hbm>>
      tpu.wait_dma2 semaphore(%run_scoped3A : memref<!tpu.dma_semaphore, #tpu.memory_space<semaphore_mem>>) src(%dma_wait3A_65 : memref<160x128xi32, #tpu.memory_space<hbm>>) dst(%arg6 : memref<160x128xi32, #tpu.memory_space<vmem>>)
      tpu.yield
    }) : () -> ()
    %mul3A_3 = arith.constant 160 : i32
    %mul3A_4 = arith.muli %arg1, %mul3A_3 : i32
    "tpu.region"() ({
      %run_scoped3A = tpu.sem_alloc : memref<!tpu.dma_semaphore, #tpu.memory_space<semaphore_mem>>
      %dma_start3A = arith.constant 0 : i32
      %dma_start3A_60 = tpu.memref_slice %arg4[%mul3A_4, %dma_start3A] : memref<2560x128xi32, #tpu.memory_space<hbm>> -> memref<160x128xi32, #tpu.memory_space<hbm>>
      %dma_start3A_61 = arith.constant 0 : i32
      %dma_start3A_62 = tpu.memref_slice %arg4[%mul3A_4, %dma_start3A_61] : memref<2560x128xi32, #tpu.memory_space<hbm>> -> memref<160x128xi32, #tpu.memory_space<hbm>>
      tpu.enqueue_dma source(%dma_start3A_62 : memref<160x128xi32, #tpu.memory_space<hbm>>) target(%arg7 : memref<160x128xi32, #tpu.memory_space<vmem>>) target_semaphore(%run_scoped3A : memref<!tpu.dma_semaphore, #tpu.memory_space<semaphore_mem>>)
      %dma_wait3A = arith.constant 0 : i32
      %dma_wait3A_63 = tpu.memref_slice %arg4[%mul3A_4, %dma_wait3A] : memref<2560x128xi32, #tpu.memory_space<hbm>> -> memref<160x128xi32, #tpu.memory_space<hbm>>
      %dma_wait3A_64 = arith.constant 0 : i32
      %dma_wait3A_65 = tpu.memref_slice %arg4[%mul3A_4, %dma_wait3A_64] : memref<2560x128xi32, #tpu.memory_space<hbm>> -> memref<160x128xi32, #tpu.memory_space<hbm>>
      tpu.wait_dma2 semaphore(%run_scoped3A : memref<!tpu.dma_semaphore, #tpu.memory_space<semaphore_mem>>) src(%dma_wait3A_65 : memref<160x128xi32, #tpu.memory_space<hbm>>) dst(%arg7 : memref<160x128xi32, #tpu.memory_space<vmem>>)
      tpu.yield
    }) : () -> ()
    %scan3A = arith.constant 0 : i32
    %scan3A_5 = arith.constant 80 : i32
    %scan3A_6 = arith.addi %scan3A, %scan3A_5 : i32
    %scan3A_7 = arith.constant 1 : i32
    scf.for %scan3A_60 = %scan3A to %scan3A_6 step %scan3A_7  : i32 {
      %broadcast_in_dim3A = arith.constant 0.000000e+00 : f32
      %broadcast_in_dim3A_61 = vector.broadcast %broadcast_in_dim3A : f32 to vector<16xf32>
      %swap3A = arith.index_cast %scan3A_60 : i32 to index
      %swap3A_62 = arith.constant 0 : index
      %swap3A_63 = tpu.vector_load %arg11[%swap3A, %swap3A_62] {strides = array<i32>} : memref<80x128xf32, #tpu.memory_space<vmem>>, vector<16xf32>,
      tpu.vector_store %arg11[%swap3A, %swap3A_62], %broadcast_in_dim3A_61 {strides = array<i32>} : memref<80x128xf32, #tpu.memory_space<vmem>>, vector<16xf32>,
      %broadcast_in_dim3A_64 = arith.constant 0.000000e+00 : f32
      %broadcast_in_dim3A_65 = vector.broadcast %broadcast_in_dim3A_64 : f32 to vector<16xf32>
      %swap3A_66 = arith.index_cast %scan3A_60 : i32 to index
      %swap3A_67 = arith.constant 16 : index
      %swap3A_68 = tpu.vector_load %arg11[%swap3A_66, %swap3A_67] {strides = array<i32>} : memref<80x128xf32, #tpu.memory_space<vmem>>, vector<16xf32>,
      tpu.vector_store %arg11[%swap3A_66, %swap3A_67], %broadcast_in_dim3A_65 {strides = array<i32>} : memref<80x128xf32, #tpu.memory_space<vmem>>, vector<16xf32>,
      %broadcast_in_dim3A_69 = arith.constant 0.000000e+00 : f32
      %broadcast_in_dim3A_70 = vector.broadcast %broadcast_in_dim3A_69 : f32 to vector<16xf32>
      %swap3A_71 = arith.index_cast %scan3A_60 : i32 to index
      %swap3A_72 = arith.constant 32 : index
      %swap3A_73 = tpu.vector_load %arg11[%swap3A_71, %swap3A_72] {strides = array<i32>} : memref<80x128xf32, #tpu.memory_space<vmem>>, vector<16xf32>,
      tpu.vector_store %arg11[%swap3A_71, %swap3A_72], %broadcast_in_dim3A_70 {strides = array<i32>} : memref<80x128xf32, #tpu.memory_space<vmem>>, vector<16xf32>,
      %broadcast_in_dim3A_74 = arith.constant 0.000000e+00 : f32
      %broadcast_in_dim3A_75 = vector.broadcast %broadcast_in_dim3A_74 : f32 to vector<16xf32>
      %swap3A_76 = arith.index_cast %scan3A_60 : i32 to index
      %swap3A_77 = arith.constant 48 : index
      %swap3A_78 = tpu.vector_load %arg11[%swap3A_76, %swap3A_77] {strides = array<i32>} : memref<80x128xf32, #tpu.memory_space<vmem>>, vector<16xf32>,
      tpu.vector_store %arg11[%swap3A_76, %swap3A_77], %broadcast_in_dim3A_75 {strides = array<i32>} : memref<80x128xf32, #tpu.memory_space<vmem>>, vector<16xf32>,
      %broadcast_in_dim3A_79 = arith.constant 0.000000e+00 : f32
      %broadcast_in_dim3A_80 = vector.broadcast %broadcast_in_dim3A_79 : f32 to vector<16xf32>
      %swap3A_81 = arith.index_cast %scan3A_60 : i32 to index
      %swap3A_82 = arith.constant 64 : index
      %swap3A_83 = tpu.vector_load %arg11[%swap3A_81, %swap3A_82] {strides = array<i32>} : memref<80x128xf32, #tpu.memory_space<vmem>>, vector<16xf32>,
      tpu.vector_store %arg11[%swap3A_81, %swap3A_82], %broadcast_in_dim3A_80 {strides = array<i32>} : memref<80x128xf32, #tpu.memory_space<vmem>>, vector<16xf32>,
      %broadcast_in_dim3A_84 = arith.constant 0.000000e+00 : f32
      %broadcast_in_dim3A_85 = vector.broadcast %broadcast_in_dim3A_84 : f32 to vector<16xf32>
      %swap3A_86 = arith.index_cast %scan3A_60 : i32 to index
      %swap3A_87 = arith.constant 80 : index
      %swap3A_88 = tpu.vector_load %arg11[%swap3A_86, %swap3A_87] {strides = array<i32>} : memref<80x128xf32, #tpu.memory_space<vmem>>, vector<16xf32>,
      tpu.vector_store %arg11[%swap3A_86, %swap3A_87], %broadcast_in_dim3A_85 {strides = array<i32>} : memref<80x128xf32, #tpu.memory_space<vmem>>, vector<16xf32>,
      %broadcast_in_dim3A_89 = arith.constant 0.000000e+00 : f32
      %broadcast_in_dim3A_90 = vector.broadcast %broadcast_in_dim3A_89 : f32 to vector<16xf32>
      %swap3A_91 = arith.index_cast %scan3A_60 : i32 to index
      %swap3A_92 = arith.constant 96 : index
      %swap3A_93 = tpu.vector_load %arg11[%swap3A_91, %swap3A_92] {strides = array<i32>} : memref<80x128xf32, #tpu.memory_space<vmem>>, vector<16xf32>,
      tpu.vector_store %arg11[%swap3A_91, %swap3A_92], %broadcast_in_dim3A_90 {strides = array<i32>} : memref<80x128xf32, #tpu.memory_space<vmem>>, vector<16xf32>,
      %broadcast_in_dim3A_94 = arith.constant 0.000000e+00 : f32
      %broadcast_in_dim3A_95 = vector.broadcast %broadcast_in_dim3A_94 : f32 to vector<16xf32>
      %swap3A_96 = arith.index_cast %scan3A_60 : i32 to index
      %swap3A_97 = arith.constant 112 : index
      %swap3A_98 = tpu.vector_load %arg11[%swap3A_96, %swap3A_97] {strides = array<i32>} : memref<80x128xf32, #tpu.memory_space<vmem>>, vector<16xf32>,
      tpu.vector_store %arg11[%swap3A_96, %swap3A_97], %broadcast_in_dim3A_95 {strides = array<i32>} : memref<80x128xf32, #tpu.memory_space<vmem>>, vector<16xf32>,
    }
    %scan3A_8 = arith.constant 80 : i32
    %scan3A_9 = arith.constant 0 : i32
    %scan3A_10 = arith.constant 5 : i32
    %scan3A_11 = arith.addi %scan3A_9, %scan3A_10 : i32
    %scan3A_12 = arith.constant 1 : i32
    scf.for %scan3A_60 = %scan3A_9 to %scan3A_11 step %scan3A_12  : i32 {
      %iota3A = tpu.iota {dimensions = array<i32: 0>} : vector<16xi32>
      %mul3A_61 = arith.constant 16 : i32
      %mul3A_62 = arith.muli %scan3A_60, %mul3A_61 : i32
      %add3A_63 = vector.broadcast %mul3A_62 : i32 to vector<16xi32>
      %add3A_64 = arith.addi %iota3A, %add3A_63 : vector<16xi32>
      %mul3A_65 = arith.constant 16 : i32
      %mul3A_66 = arith.muli %scan3A_60, %mul3A_65 : i32
      %swap3A = arith.index_cast %mul3A_66 : i32 to index
      %swap3A_67 = tpu.vector_load %arg12[%swap3A] {strides = array<i32>} : memref<80xi32, #tpu.memory_space<vmem>>, vector<16xi32>,
      tpu.vector_store %arg12[%swap3A], %add3A_64 {strides = array<i32>} : memref<80xi32, #tpu.memory_space<vmem>>, vector<16xi32>,
    }
    %scan3A_13 = arith.constant 5 : i32
    %scan3A_14 = arith.constant 0 : i32
    %scan3A_15 = arith.constant 160 : i32
    %scan3A_16 = arith.addi %scan3A_14, %scan3A_15 : i32
    %scan3A_17 = arith.constant 1 : i32
    scf.for %scan3A_60 = %scan3A_14 to %scan3A_16 step %scan3A_17  : i32 {
      %broadcast_in_dim3A = arith.constant 0.000000e+00 : f32
      %broadcast_in_dim3A_61 = vector.broadcast %broadcast_in_dim3A : f32 to vector<16xf32>
      %swap3A = arith.index_cast %scan3A_60 : i32 to index
      %swap3A_62 = arith.constant 0 : index
      %swap3A_63 = tpu.vector_load %arg10[%swap3A, %swap3A_62] {strides = array<i32>} : memref<160x128xf32, #tpu.memory_space<vmem>>, vector<16xf32>,
      tpu.vector_store %arg10[%swap3A, %swap3A_62], %broadcast_in_dim3A_61 {strides = array<i32>} : memref<160x128xf32, #tpu.memory_space<vmem>>, vector<16xf32>,
      %broadcast_in_dim3A_64 = arith.constant 0.000000e+00 : f32
      %broadcast_in_dim3A_65 = vector.broadcast %broadcast_in_dim3A_64 : f32 to vector<16xf32>
      %swap3A_66 = arith.index_cast %scan3A_60 : i32 to index
      %swap3A_67 = arith.constant 16 : index
      %swap3A_68 = tpu.vector_load %arg10[%swap3A_66, %swap3A_67] {strides = array<i32>} : memref<160x128xf32, #tpu.memory_space<vmem>>, vector<16xf32>,
      tpu.vector_store %arg10[%swap3A_66, %swap3A_67], %broadcast_in_dim3A_65 {strides = array<i32>} : memref<160x128xf32, #tpu.memory_space<vmem>>, vector<16xf32>,
      %broadcast_in_dim3A_69 = arith.constant 0.000000e+00 : f32
      %broadcast_in_dim3A_70 = vector.broadcast %broadcast_in_dim3A_69 : f32 to vector<16xf32>
      %swap3A_71 = arith.index_cast %scan3A_60 : i32 to index
      %swap3A_72 = arith.constant 32 : index
      %swap3A_73 = tpu.vector_load %arg10[%swap3A_71, %swap3A_72] {strides = array<i32>} : memref<160x128xf32, #tpu.memory_space<vmem>>, vector<16xf32>,
      tpu.vector_store %arg10[%swap3A_71, %swap3A_72], %broadcast_in_dim3A_70 {strides = array<i32>} : memref<160x128xf32, #tpu.memory_space<vmem>>, vector<16xf32>,
      %broadcast_in_dim3A_74 = arith.constant 0.000000e+00 : f32
      %broadcast_in_dim3A_75 = vector.broadcast %broadcast_in_dim3A_74 : f32 to vector<16xf32>
      %swap3A_76 = arith.index_cast %scan3A_60 : i32 to index
      %swap3A_77 = arith.constant 48 : index
      %swap3A_78 = tpu.vector_load %arg10[%swap3A_76, %swap3A_77] {strides = array<i32>} : memref<160x128xf32, #tpu.memory_space<vmem>>, vector<16xf32>,
      tpu.vector_store %arg10[%swap3A_76, %swap3A_77], %broadcast_in_dim3A_75 {strides = array<i32>} : memref<160x128xf32, #tpu.memory_space<vmem>>, vector<16xf32>,
      %broadcast_in_dim3A_79 = arith.constant 0.000000e+00 : f32
      %broadcast_in_dim3A_80 = vector.broadcast %broadcast_in_dim3A_79 : f32 to vector<16xf32>
      %swap3A_81 = arith.index_cast %scan3A_60 : i32 to index
      %swap3A_82 = arith.constant 64 : index
      %swap3A_83 = tpu.vector_load %arg10[%swap3A_81, %swap3A_82] {strides = array<i32>} : memref<160x128xf32, #tpu.memory_space<vmem>>, vector<16xf32>,
      tpu.vector_store %arg10[%swap3A_81, %swap3A_82], %broadcast_in_dim3A_80 {strides = array<i32>} : memref<160x128xf32, #tpu.memory_space<vmem>>, vector<16xf32>,
      %broadcast_in_dim3A_84 = arith.constant 0.000000e+00 : f32
      %broadcast_in_dim3A_85 = vector.broadcast %broadcast_in_dim3A_84 : f32 to vector<16xf32>
      %swap3A_86 = arith.index_cast %scan3A_60 : i32 to index
      %swap3A_87 = arith.constant 80 : index
      %swap3A_88 = tpu.vector_load %arg10[%swap3A_86, %swap3A_87] {strides = array<i32>} : memref<160x128xf32, #tpu.memory_space<vmem>>, vector<16xf32>,
      tpu.vector_store %arg10[%swap3A_86, %swap3A_87], %broadcast_in_dim3A_85 {strides = array<i32>} : memref<160x128xf32, #tpu.memory_space<vmem>>, vector<16xf32>,
      %broadcast_in_dim3A_89 = arith.constant 0.000000e+00 : f32
      %broadcast_in_dim3A_90 = vector.broadcast %broadcast_in_dim3A_89 : f32 to vector<16xf32>
      %swap3A_91 = arith.index_cast %scan3A_60 : i32 to index
      %swap3A_92 = arith.constant 96 : index
      %swap3A_93 = tpu.vector_load %arg10[%swap3A_91, %swap3A_92] {strides = array<i32>} : memref<160x128xf32, #tpu.memory_space<vmem>>, vector<16xf32>,
      tpu.vector_store %arg10[%swap3A_91, %swap3A_92], %broadcast_in_dim3A_90 {strides = array<i32>} : memref<160x128xf32, #tpu.memory_space<vmem>>, vector<16xf32>,
      %broadcast_in_dim3A_94 = arith.constant 0.000000e+00 : f32
      %broadcast_in_dim3A_95 = vector.broadcast %broadcast_in_dim3A_94 : f32 to vector<16xf32>
      %swap3A_96 = arith.index_cast %scan3A_60 : i32 to index
      %swap3A_97 = arith.constant 112 : index
      %swap3A_98 = tpu.vector_load %arg10[%swap3A_96, %swap3A_97] {strides = array<i32>} : memref<160x128xf32, #tpu.memory_space<vmem>>, vector<16xf32>,
      tpu.vector_store %arg10[%swap3A_96, %swap3A_97], %broadcast_in_dim3A_95 {strides = array<i32>} : memref<160x128xf32, #tpu.memory_space<vmem>>, vector<16xf32>,
    }
    %scan3A_18 = arith.constant 160 : i32
    %mul3A_19 = arith.constant 320 : i32
    %mul3A_20 = arith.muli %arg1, %mul3A_19 : i32
    %add3A = arith.constant 0 : i32
    %add3A_21 = arith.addi %mul3A_20, %add3A : i32
    "tpu.region"() ({
      %run_scoped3A = tpu.sem_alloc : memref<!tpu.dma_semaphore, #tpu.memory_space<semaphore_mem>>
      %dma_start3A = arith.constant 0 : i32
      %dma_start3A_60 = arith.constant 0 : i32
      %dma_start3A_61 = tpu.memref_slice %arg10[%dma_start3A, %dma_start3A_60] : memref<160x128xf32, #tpu.memory_space<vmem>> -> memref<160x128xf32, #tpu.memory_space<vmem>>
      %dma_start3A_62 = arith.constant 0 : i32
      %dma_start3A_63 = tpu.memref_slice %arg13[%add3A_21, %dma_start3A_62] : memref<5128x128xf32, #tpu.memory_space<vmem_shared>> -> memref<160x128xf32, #tpu.memory_space<vmem_shared>>
      %dma_start3A_64 = arith.constant 0 : i32
      %dma_start3A_65 = tpu.memref_slice %arg13[%add3A_21, %dma_start3A_64] : memref<5128x128xf32, #tpu.memory_space<vmem_shared>> -> memref<160x128xf32, #tpu.memory_space<vmem_shared>>
      %dma_start3A_66 = arith.constant 0 : i32
      %dma_start3A_67 = arith.constant 0 : i32
      %dma_start3A_68 = tpu.memref_slice %arg10[%dma_start3A_66, %dma_start3A_67] : memref<160x128xf32, #tpu.memory_space<vmem>> -> memref<160x128xf32, #tpu.memory_space<vmem>>
      tpu.enqueue_dma source(%dma_start3A_68 : memref<160x128xf32, #tpu.memory_space<vmem>>) target(%dma_start3A_65 : memref<160x128xf32, #tpu.memory_space<vmem_shared>>) target_semaphore(%run_scoped3A : memref<!tpu.dma_semaphore, #tpu.memory_space<semaphore_mem>>)
      %dma_wait3A = arith.constant 0 : i32
      %dma_wait3A_69 = arith.constant 0 : i32
      %dma_wait3A_70 = tpu.memref_slice %arg10[%dma_wait3A, %dma_wait3A_69] : memref<160x128xf32, #tpu.memory_space<vmem>> -> memref<160x128xf32, #tpu.memory_space<vmem>>
      %dma_wait3A_71 = arith.constant 0 : i32
      %dma_wait3A_72 = tpu.memref_slice %arg13[%add3A_21, %dma_wait3A_71] : memref<5128x128xf32, #tpu.memory_space<vmem_shared>> -> memref<160x128xf32, #tpu.memory_space<vmem_shared>>
      %dma_wait3A_73 = arith.constant 0 : i32
      %dma_wait3A_74 = tpu.memref_slice %arg13[%add3A_21, %dma_wait3A_73] : memref<5128x128xf32, #tpu.memory_space<vmem_shared>> -> memref<160x128xf32, #tpu.memory_space<vmem_shared>>
      %dma_wait3A_75 = arith.constant 0 : i32
      %dma_wait3A_76 = arith.constant 0 : i32
      %dma_wait3A_77 = tpu.memref_slice %arg10[%dma_wait3A_75, %dma_wait3A_76] : memref<160x128xf32, #tpu.memory_space<vmem>> -> memref<160x128xf32, #tpu.memory_space<vmem>>
      tpu.wait_dma2 semaphore(%run_scoped3A : memref<!tpu.dma_semaphore, #tpu.memory_space<semaphore_mem>>) src(%dma_wait3A_77 : memref<160x128xf32, #tpu.memory_space<vmem>>) dst(%dma_wait3A_74 : memref<160x128xf32, #tpu.memory_space<vmem_shared>>)
      tpu.yield
    }) : () -> ()
    %mul3A_22 = arith.constant 320 : i32
    %mul3A_23 = arith.muli %arg1, %mul3A_22 : i32
    %add3A_24 = arith.constant 160 : i32
    %add3A_25 = arith.addi %mul3A_23, %add3A_24 : i32
    "tpu.region"() ({
      %run_scoped3A = tpu.sem_alloc : memref<!tpu.dma_semaphore, #tpu.memory_space<semaphore_mem>>
      %dma_start3A = arith.constant 0 : i32
      %dma_start3A_60 = arith.constant 0 : i32
      %dma_start3A_61 = tpu.memref_slice %arg10[%dma_start3A, %dma_start3A_60] : memref<160x128xf32, #tpu.memory_space<vmem>> -> memref<160x128xf32, #tpu.memory_space<vmem>>
      %dma_start3A_62 = arith.constant 0 : i32
      %dma_start3A_63 = tpu.memref_slice %arg13[%add3A_25, %dma_start3A_62] : memref<5128x128xf32, #tpu.memory_space<vmem_shared>> -> memref<160x128xf32, #tpu.memory_space<vmem_shared>>
      %dma_start3A_64 = arith.constant 0 : i32
      %dma_start3A_65 = tpu.memref_slice %arg13[%add3A_25, %dma_start3A_64] : memref<5128x128xf32, #tpu.memory_space<vmem_shared>> -> memref<160x128xf32, #tpu.memory_space<vmem_shared>>
      %dma_start3A_66 = arith.constant 0 : i32
      %dma_start3A_67 = arith.constant 0 : i32
      %dma_start3A_68 = tpu.memref_slice %arg10[%dma_start3A_66, %dma_start3A_67] : memref<160x128xf32, #tpu.memory_space<vmem>> -> memref<160x128xf32, #tpu.memory_space<vmem>>
      tpu.enqueue_dma source(%dma_start3A_68 : memref<160x128xf32, #tpu.memory_space<vmem>>) target(%dma_start3A_65 : memref<160x128xf32, #tpu.memory_space<vmem_shared>>) target_semaphore(%run_scoped3A : memref<!tpu.dma_semaphore, #tpu.memory_space<semaphore_mem>>)
      %dma_wait3A = arith.constant 0 : i32
      %dma_wait3A_69 = arith.constant 0 : i32
      %dma_wait3A_70 = tpu.memref_slice %arg10[%dma_wait3A, %dma_wait3A_69] : memref<160x128xf32, #tpu.memory_space<vmem>> -> memref<160x128xf32, #tpu.memory_space<vmem>>
      %dma_wait3A_71 = arith.constant 0 : i32
      %dma_wait3A_72 = tpu.memref_slice %arg13[%add3A_25, %dma_wait3A_71] : memref<5128x128xf32, #tpu.memory_space<vmem_shared>> -> memref<160x128xf32, #tpu.memory_space<vmem_shared>>
      %dma_wait3A_73 = arith.constant 0 : i32
      %dma_wait3A_74 = tpu.memref_slice %arg13[%add3A_25, %dma_wait3A_73] : memref<5128x128xf32, #tpu.memory_space<vmem_shared>> -> memref<160x128xf32, #tpu.memory_space<vmem_shared>>
      %dma_wait3A_75 = arith.constant 0 : i32
      %dma_wait3A_76 = arith.constant 0 : i32
      %dma_wait3A_77 = tpu.memref_slice %arg10[%dma_wait3A_75, %dma_wait3A_76] : memref<160x128xf32, #tpu.memory_space<vmem>> -> memref<160x128xf32, #tpu.memory_space<vmem>>
      tpu.wait_dma2 semaphore(%run_scoped3A : memref<!tpu.dma_semaphore, #tpu.memory_space<semaphore_mem>>) src(%dma_wait3A_77 : memref<160x128xf32, #tpu.memory_space<vmem>>) dst(%dma_wait3A_74 : memref<160x128xf32, #tpu.memory_space<vmem_shared>>)
      tpu.yield
    }) : () -> ()
    %eq3A = arith.constant 0 : i32
    %eq3A_26 = arith.cmpi eq, %arg1, %eq3A : i32
    %convert_element_type3A = arith.extui %eq3A_26 : i1 to i32
    %cond3A = arith.constant 0 : i32
    %cond3A_27 = arith.cmpi ne, %convert_element_type3A, %cond3A : i32
    scf.if %cond3A_27 {
      "tpu.region"() ({
        %run_scoped3A = tpu.sem_alloc : memref<!tpu.dma_semaphore, #tpu.memory_space<semaphore_mem>>
        %dma_start3A = arith.constant 0 : i32
        %dma_start3A_60 = arith.constant 0 : i32
        %dma_start3A_61 = tpu.memref_slice %arg10[%dma_start3A, %dma_start3A_60] : memref<160x128xf32, #tpu.memory_space<vmem>> -> memref<8x128xf32, #tpu.memory_space<vmem>>
        %dma_start3A_62 = arith.constant 5120 : i32
        %dma_start3A_63 = arith.constant 0 : i32
        %dma_start3A_64 = tpu.memref_slice %arg13[%dma_start3A_62, %dma_start3A_63] : memref<5128x128xf32, #tpu.memory_space<vmem_shared>> -> memref<8x128xf32, #tpu.memory_space<vmem_shared>>
        %dma_start3A_65 = arith.constant 5120 : i32
        %dma_start3A_66 = arith.constant 0 : i32
        %dma_start3A_67 = tpu.memref_slice %arg13[%dma_start3A_65, %dma_start3A_66] : memref<5128x128xf32, #tpu.memory_space<vmem_shared>> -> memref<8x128xf32, #tpu.memory_space<vmem_shared>>
        %dma_start3A_68 = arith.constant 0 : i32
        %dma_start3A_69 = arith.constant 0 : i32
        %dma_start3A_70 = tpu.memref_slice %arg10[%dma_start3A_68, %dma_start3A_69] : memref<160x128xf32, #tpu.memory_space<vmem>> -> memref<8x128xf32, #tpu.memory_space<vmem>>
        tpu.enqueue_dma source(%dma_start3A_70 : memref<8x128xf32, #tpu.memory_space<vmem>>) target(%dma_start3A_67 : memref<8x128xf32, #tpu.memory_space<vmem_shared>>) target_semaphore(%run_scoped3A : memref<!tpu.dma_semaphore, #tpu.memory_space<semaphore_mem>>)
        %dma_wait3A = arith.constant 0 : i32
        %dma_wait3A_71 = arith.constant 0 : i32
        %dma_wait3A_72 = tpu.memref_slice %arg10[%dma_wait3A, %dma_wait3A_71] : memref<160x128xf32, #tpu.memory_space<vmem>> -> memref<8x128xf32, #tpu.memory_space<vmem>>
        %dma_wait3A_73 = arith.constant 5120 : i32
        %dma_wait3A_74 = arith.constant 0 : i32
        %dma_wait3A_75 = tpu.memref_slice %arg13[%dma_wait3A_73, %dma_wait3A_74] : memref<5128x128xf32, #tpu.memory_space<vmem_shared>> -> memref<8x128xf32, #tpu.memory_space<vmem_shared>>
        %dma_wait3A_76 = arith.constant 5120 : i32
        %dma_wait3A_77 = arith.constant 0 : i32
        %dma_wait3A_78 = tpu.memref_slice %arg13[%dma_wait3A_76, %dma_wait3A_77] : memref<5128x128xf32, #tpu.memory_space<vmem_shared>> -> memref<8x128xf32, #tpu.memory_space<vmem_shared>>
        %dma_wait3A_79 = arith.constant 0 : i32
        %dma_wait3A_80 = arith.constant 0 : i32
        %dma_wait3A_81 = tpu.memref_slice %arg10[%dma_wait3A_79, %dma_wait3A_80] : memref<160x128xf32, #tpu.memory_space<vmem>> -> memref<8x128xf32, #tpu.memory_space<vmem>>
        tpu.wait_dma2 semaphore(%run_scoped3A : memref<!tpu.dma_semaphore, #tpu.memory_space<semaphore_mem>>) src(%dma_wait3A_81 : memref<8x128xf32, #tpu.memory_space<vmem>>) dst(%dma_wait3A_78 : memref<8x128xf32, #tpu.memory_space<vmem_shared>>)
        tpu.yield
      }) : () -> ()
      "tpu.region"() ({
        %run_scoped3A = tpu.sem_alloc : memref<!tpu.dma_semaphore, #tpu.memory_space<semaphore_mem>>
        %dma_start3A = arith.constant 0 : i32
        %dma_start3A_60 = arith.constant 0 : i32
        %dma_start3A_61 = tpu.memref_slice %arg10[%dma_start3A, %dma_start3A_60] : memref<160x128xf32, #tpu.memory_space<vmem>> -> memref<80x128xf32, #tpu.memory_space<vmem>>
        %dma_start3A_62 = arith.constant 0 : i32
        %dma_start3A_63 = arith.constant 0 : i32
        %dma_start3A_64 = tpu.memref_slice %arg10[%dma_start3A_62, %dma_start3A_63] : memref<160x128xf32, #tpu.memory_space<vmem>> -> memref<80x128xf32, #tpu.memory_space<vmem>>
        tpu.enqueue_dma source(%dma_start3A_64 : memref<80x128xf32, #tpu.memory_space<vmem>>) target(%arg14 : memref<80x128xf32, #tpu.memory_space<vmem_shared>>) target_semaphore(%run_scoped3A : memref<!tpu.dma_semaphore, #tpu.memory_space<semaphore_mem>>)
        %dma_wait3A = arith.constant 0 : i32
        %dma_wait3A_65 = arith.constant 0 : i32
        %dma_wait3A_66 = tpu.memref_slice %arg10[%dma_wait3A, %dma_wait3A_65] : memref<160x128xf32, #tpu.memory_space<vmem>> -> memref<80x128xf32, #tpu.memory_space<vmem>>
        %dma_wait3A_67 = arith.constant 0 : i32
        %dma_wait3A_68 = arith.constant 0 : i32
        %dma_wait3A_69 = tpu.memref_slice %arg10[%dma_wait3A_67, %dma_wait3A_68] : memref<160x128xf32, #tpu.memory_space<vmem>> -> memref<80x128xf32, #tpu.memory_space<vmem>>
        tpu.wait_dma2 semaphore(%run_scoped3A : memref<!tpu.dma_semaphore, #tpu.memory_space<semaphore_mem>>) src(%dma_wait3A_69 : memref<80x128xf32, #tpu.memory_space<vmem>>) dst(%arg14 : memref<80x128xf32, #tpu.memory_space<vmem_shared>>)
        tpu.yield
      }) : () -> ()
    } else {
    }
    %barrier3A = arith.constant 0 : index
    tpu.barrier barrier_id(%barrier3A)
    %scan3A_28 = arith.constant 0 : i32
    %scan3A_29 = arith.constant 160 : i32
    %scan3A_30 = arith.addi %scan3A_28, %scan3A_29 : i32
    %scan3A_31 = arith.constant 1 : i32
    scf.for %scan3A_60 = %scan3A_28 to %scan3A_30 step %scan3A_31  : i32 {
      %dma_start3A = arith.constant 0 : i32
      %dma_start3A_61 = tpu.memref_slice %arg6[%scan3A_60, %dma_start3A] : memref<160x128xi32, #tpu.memory_space<vmem>> -> memref<1x128xi32, #tpu.memory_space<vmem>>
      %dma_start3A_62 = tpu.memref_squeeze %dma_start3A_61 : memref<1x128xi32, #tpu.memory_space<vmem>> -> memref<128xi32, #tpu.memory_space<vmem>>
      %dma_start3A_63 = arith.constant 0 : i32
      %dma_start3A_64 = arith.constant 0 : i32
      %dma_start3A_65 = tpu.memref_slice %arg2[%dma_start3A_63, %dma_start3A_64] : memref<10240x128xf32, #tpu.memory_space<hbm>> -> memref<10240x128xf32, #tpu.memory_space<hbm>>
      tpu.enqueue_indirect_dma source(%dma_start3A_65 : memref<10240x128xf32, #tpu.memory_space<hbm>>) target(%arg9 : memref<128x128xf32, #tpu.memory_space<vmem>>) offsets(%dma_start3A_62 : memref<128xi32, #tpu.memory_space<vmem>>) semaphore(%arg15 : memref<!tpu.dma_semaphore, #tpu.memory_space<semaphore_mem>>)
      %get3A = arith.index_cast %scan3A_60 : i32 to index
      %get3A_66 = arith.constant 0 : index
      %get3A_67 = tpu.vector_load %arg7[%get3A, %get3A_66] {strides = array<i32>} : memref<160x128xi32, #tpu.memory_space<vmem>>, vector<16xi32>,
      %broadcast_in_dim3A = arith.constant true
      %broadcast_in_dim3A_68 = vector.broadcast %broadcast_in_dim3A : i1 to vector<16xi1>
      %unique3A, %unique3A_69 = tpu.scan_count mask(%broadcast_in_dim3A_68 : vector<16xi1>) value(%get3A_67 : vector<16xi32>) : vector<16xi1>, vector<16xi32>
      %shift_right_logical3A = arith.constant 7 : i32
      %shift_right_logical3A_70 = vector.broadcast %shift_right_logical3A : i32 to vector<16xi32>
      %shift_right_logical3A_71 = arith.shrui %get3A_67, %shift_right_logical3A_70 : vector<16xi32>
      %and3A = arith.constant 127 : i32
      %and3A_72 = vector.broadcast %and3A : i32 to vector<16xi32>
      %and3A_73 = arith.andi %get3A_67, %and3A_72 : vector<16xi32>
      %convert_element_type3A_74 = arith.sitofp %unique3A_69 : vector<16xi32> to vector<16xf32>
      tpu.vector_store_idx %arg11[%shift_right_logical3A_71, %and3A_73], %convert_element_type3A_74 masked %unique3A {add = true} : memref<80x128xf32, #tpu.memory_space<vmem>>[vector<16xi32>, vector<16xi32>], vector<16xf32>, vector<16xi1>
      %sub3A = vector.broadcast %mul3A_0 : i32 to vector<16xi32>
      %sub3A_75 = arith.subi %get3A_67, %sub3A : vector<16xi32>
      %ge3A = arith.constant 0 : i32
      %ge3A_76 = vector.broadcast %ge3A : i32 to vector<16xi32>
      %ge3A_77 = arith.cmpi sge, %sub3A_75, %ge3A_76 : vector<16xi32>
      %lt3A = arith.constant 5120 : i32
      %lt3A_78 = vector.broadcast %lt3A : i32 to vector<16xi32>
      %lt3A_79 = arith.cmpi slt, %sub3A_75, %lt3A_78 : vector<16xi32>
      %and3A_80 = arith.andi %ge3A_77, %lt3A_79 : vector<16xi1>
      %jit3A = arith.constant 5120 : i32
      %broadcast_in_dim3A_81 = vector.broadcast %jit3A : i32 to vector<16xi32>
      %select_n3A = arith.select %and3A_80, %sub3A_75, %broadcast_in_dim3A_81 : vector<16xi1>, vector<16xi32>
      %swap3A = arith.constant 0 : index
      %swap3A_82 = tpu.vector_load %arg8[%swap3A] {strides = array<i32>} : memref<128xi32, #tpu.memory_space<vmem>>, vector<16xi32>,
      tpu.vector_store %arg8[%swap3A], %select_n3A {strides = array<i32>} : memref<128xi32, #tpu.memory_space<vmem>>, vector<16xi32>,
      %get3A_83 = arith.index_cast %scan3A_60 : i32 to index
      %get3A_84 = arith.constant 16 : index
      %get3A_85 = tpu.vector_load %arg7[%get3A_83, %get3A_84] {strides = array<i32>} : memref<160x128xi32, #tpu.memory_space<vmem>>, vector<16xi32>,
      %broadcast_in_dim3A_86 = arith.constant true
      %broadcast_in_dim3A_87 = vector.broadcast %broadcast_in_dim3A_86 : i1 to vector<16xi1>
      %unique3A_88, %unique3A_89 = tpu.scan_count mask(%broadcast_in_dim3A_87 : vector<16xi1>) value(%get3A_85 : vector<16xi32>) : vector<16xi1>, vector<16xi32>
      %shift_right_logical3A_90 = arith.constant 7 : i32
      %shift_right_logical3A_91 = vector.broadcast %shift_right_logical3A_90 : i32 to vector<16xi32>
      %shift_right_logical3A_92 = arith.shrui %get3A_85, %shift_right_logical3A_91 : vector<16xi32>
      %and3A_93 = arith.constant 127 : i32
      %and3A_94 = vector.broadcast %and3A_93 : i32 to vector<16xi32>
      %and3A_95 = arith.andi %get3A_85, %and3A_94 : vector<16xi32>
      %convert_element_type3A_96 = arith.sitofp %unique3A_89 : vector<16xi32> to vector<16xf32>
      tpu.vector_store_idx %arg11[%shift_right_logical3A_92, %and3A_95], %convert_element_type3A_96 masked %unique3A_88 {add = true} : memref<80x128xf32, #tpu.memory_space<vmem>>[vector<16xi32>, vector<16xi32>], vector<16xf32>, vector<16xi1>
      %sub3A_97 = vector.broadcast %mul3A_0 : i32 to vector<16xi32>
      %sub3A_98 = arith.subi %get3A_85, %sub3A_97 : vector<16xi32>
      %ge3A_99 = arith.constant 0 : i32
      %ge3A_100 = vector.broadcast %ge3A_99 : i32 to vector<16xi32>
      %ge3A_101 = arith.cmpi sge, %sub3A_98, %ge3A_100 : vector<16xi32>
      %lt3A_102 = arith.constant 5120 : i32
      %lt3A_103 = vector.broadcast %lt3A_102 : i32 to vector<16xi32>
      %lt3A_104 = arith.cmpi slt, %sub3A_98, %lt3A_103 : vector<16xi32>
      %and3A_105 = arith.andi %ge3A_101, %lt3A_104 : vector<16xi1>
      %jit3A_106 = arith.constant 5120 : i32
      %broadcast_in_dim3A_107 = vector.broadcast %jit3A_106 : i32 to vector<16xi32>
      %select_n3A_108 = arith.select %and3A_105, %sub3A_98, %broadcast_in_dim3A_107 : vector<16xi1>, vector<16xi32>
      %swap3A_109 = arith.constant 16 : index
      %swap3A_110 = tpu.vector_load %arg8[%swap3A_109] {strides = array<i32>} : memref<128xi32, #tpu.memory_space<vmem>>, vector<16xi32>,
      tpu.vector_store %arg8[%swap3A_109], %select_n3A_108 {strides = array<i32>} : memref<128xi32, #tpu.memory_space<vmem>>, vector<16xi32>,
      %get3A_111 = arith.index_cast %scan3A_60 : i32 to index
      %get3A_112 = arith.constant 32 : index
      %get3A_113 = tpu.vector_load %arg7[%get3A_111, %get3A_112] {strides = array<i32>} : memref<160x128xi32, #tpu.memory_space<vmem>>, vector<16xi32>,
      %broadcast_in_dim3A_114 = arith.constant true
      %broadcast_in_dim3A_115 = vector.broadcast %broadcast_in_dim3A_114 : i1 to vector<16xi1>
      %unique3A_116, %unique3A_117 = tpu.scan_count mask(%broadcast_in_dim3A_115 : vector<16xi1>) value(%get3A_113 : vector<16xi32>) : vector<16xi1>, vector<16xi32>
      %shift_right_logical3A_118 = arith.constant 7 : i32
      %shift_right_logical3A_119 = vector.broadcast %shift_right_logical3A_118 : i32 to vector<16xi32>
      %shift_right_logical3A_120 = arith.shrui %get3A_113, %shift_right_logical3A_119 : vector<16xi32>
      %and3A_121 = arith.constant 127 : i32
      %and3A_122 = vector.broadcast %and3A_121 : i32 to vector<16xi32>
      %and3A_123 = arith.andi %get3A_113, %and3A_122 : vector<16xi32>
      %convert_element_type3A_124 = arith.sitofp %unique3A_117 : vector<16xi32> to vector<16xf32>
      tpu.vector_store_idx %arg11[%shift_right_logical3A_120, %and3A_123], %convert_element_type3A_124 masked %unique3A_116 {add = true} : memref<80x128xf32, #tpu.memory_space<vmem>>[vector<16xi32>, vector<16xi32>], vector<16xf32>, vector<16xi1>
      %sub3A_125 = vector.broadcast %mul3A_0 : i32 to vector<16xi32>
      %sub3A_126 = arith.subi %get3A_113, %sub3A_125 : vector<16xi32>
      %ge3A_127 = arith.constant 0 : i32
      %ge3A_128 = vector.broadcast %ge3A_127 : i32 to vector<16xi32>
      %ge3A_129 = arith.cmpi sge, %sub3A_126, %ge3A_128 : vector<16xi32>
      %lt3A_130 = arith.constant 5120 : i32
      %lt3A_131 = vector.broadcast %lt3A_130 : i32 to vector<16xi32>
      %lt3A_132 = arith.cmpi slt, %sub3A_126, %lt3A_131 : vector<16xi32>
      %and3A_133 = arith.andi %ge3A_129, %lt3A_132 : vector<16xi1>
      %jit3A_134 = arith.constant 5120 : i32
      %broadcast_in_dim3A_135 = vector.broadcast %jit3A_134 : i32 to vector<16xi32>
      %select_n3A_136 = arith.select %and3A_133, %sub3A_126, %broadcast_in_dim3A_135 : vector<16xi1>, vector<16xi32>
      %swap3A_137 = arith.constant 32 : index
      %swap3A_138 = tpu.vector_load %arg8[%swap3A_137] {strides = array<i32>} : memref<128xi32, #tpu.memory_space<vmem>>, vector<16xi32>,
      tpu.vector_store %arg8[%swap3A_137], %select_n3A_136 {strides = array<i32>} : memref<128xi32, #tpu.memory_space<vmem>>, vector<16xi32>,
      %get3A_139 = arith.index_cast %scan3A_60 : i32 to index
      %get3A_140 = arith.constant 48 : index
      %get3A_141 = tpu.vector_load %arg7[%get3A_139, %get3A_140] {strides = array<i32>} : memref<160x128xi32, #tpu.memory_space<vmem>>, vector<16xi32>,
      %broadcast_in_dim3A_142 = arith.constant true
      %broadcast_in_dim3A_143 = vector.broadcast %broadcast_in_dim3A_142 : i1 to vector<16xi1>
      %unique3A_144, %unique3A_145 = tpu.scan_count mask(%broadcast_in_dim3A_143 : vector<16xi1>) value(%get3A_141 : vector<16xi32>) : vector<16xi1>, vector<16xi32>
      %shift_right_logical3A_146 = arith.constant 7 : i32
      %shift_right_logical3A_147 = vector.broadcast %shift_right_logical3A_146 : i32 to vector<16xi32>
      %shift_right_logical3A_148 = arith.shrui %get3A_141, %shift_right_logical3A_147 : vector<16xi32>
      %and3A_149 = arith.constant 127 : i32
      %and3A_150 = vector.broadcast %and3A_149 : i32 to vector<16xi32>
      %and3A_151 = arith.andi %get3A_141, %and3A_150 : vector<16xi32>
      %convert_element_type3A_152 = arith.sitofp %unique3A_145 : vector<16xi32> to vector<16xf32>
      tpu.vector_store_idx %arg11[%shift_right_logical3A_148, %and3A_151], %convert_element_type3A_152 masked %unique3A_144 {add = true} : memref<80x128xf32, #tpu.memory_space<vmem>>[vector<16xi32>, vector<16xi32>], vector<16xf32>, vector<16xi1>
      %sub3A_153 = vector.broadcast %mul3A_0 : i32 to vector<16xi32>
      %sub3A_154 = arith.subi %get3A_141, %sub3A_153 : vector<16xi32>
      %ge3A_155 = arith.constant 0 : i32
      %ge3A_156 = vector.broadcast %ge3A_155 : i32 to vector<16xi32>
      %ge3A_157 = arith.cmpi sge, %sub3A_154, %ge3A_156 : vector<16xi32>
      %lt3A_158 = arith.constant 5120 : i32
      %lt3A_159 = vector.broadcast %lt3A_158 : i32 to vector<16xi32>
      %lt3A_160 = arith.cmpi slt, %sub3A_154, %lt3A_159 : vector<16xi32>
      %and3A_161 = arith.andi %ge3A_157, %lt3A_160 : vector<16xi1>
      %jit3A_162 = arith.constant 5120 : i32
      %broadcast_in_dim3A_163 = vector.broadcast %jit3A_162 : i32 to vector<16xi32>
      %select_n3A_164 = arith.select %and3A_161, %sub3A_154, %broadcast_in_dim3A_163 : vector<16xi1>, vector<16xi32>
      %swap3A_165 = arith.constant 48 : index
      %swap3A_166 = tpu.vector_load %arg8[%swap3A_165] {strides = array<i32>} : memref<128xi32, #tpu.memory_space<vmem>>, vector<16xi32>,
      tpu.vector_store %arg8[%swap3A_165], %select_n3A_164 {strides = array<i32>} : memref<128xi32, #tpu.memory_space<vmem>>, vector<16xi32>,
      %get3A_167 = arith.index_cast %scan3A_60 : i32 to index
      %get3A_168 = arith.constant 64 : index
      %get3A_169 = tpu.vector_load %arg7[%get3A_167, %get3A_168] {strides = array<i32>} : memref<160x128xi32, #tpu.memory_space<vmem>>, vector<16xi32>,
      %broadcast_in_dim3A_170 = arith.constant true
      %broadcast_in_dim3A_171 = vector.broadcast %broadcast_in_dim3A_170 : i1 to vector<16xi1>
      %unique3A_172, %unique3A_173 = tpu.scan_count mask(%broadcast_in_dim3A_171 : vector<16xi1>) value(%get3A_169 : vector<16xi32>) : vector<16xi1>, vector<16xi32>
      %shift_right_logical3A_174 = arith.constant 7 : i32
      %shift_right_logical3A_175 = vector.broadcast %shift_right_logical3A_174 : i32 to vector<16xi32>
      %shift_right_logical3A_176 = arith.shrui %get3A_169, %shift_right_logical3A_175 : vector<16xi32>
      %and3A_177 = arith.constant 127 : i32
      %and3A_178 = vector.broadcast %and3A_177 : i32 to vector<16xi32>
      %and3A_179 = arith.andi %get3A_169, %and3A_178 : vector<16xi32>
      %convert_element_type3A_180 = arith.sitofp %unique3A_173 : vector<16xi32> to vector<16xf32>
      tpu.vector_store_idx %arg11[%shift_right_logical3A_176, %and3A_179], %convert_element_type3A_180 masked %unique3A_172 {add = true} : memref<80x128xf32, #tpu.memory_space<vmem>>[vector<16xi32>, vector<16xi32>], vector<16xf32>, vector<16xi1>
      %sub3A_181 = vector.broadcast %mul3A_0 : i32 to vector<16xi32>
      %sub3A_182 = arith.subi %get3A_169, %sub3A_181 : vector<16xi32>
      %ge3A_183 = arith.constant 0 : i32
      %ge3A_184 = vector.broadcast %ge3A_183 : i32 to vector<16xi32>
      %ge3A_185 = arith.cmpi sge, %sub3A_182, %ge3A_184 : vector<16xi32>
      %lt3A_186 = arith.constant 5120 : i32
      %lt3A_187 = vector.broadcast %lt3A_186 : i32 to vector<16xi32>
      %lt3A_188 = arith.cmpi slt, %sub3A_182, %lt3A_187 : vector<16xi32>
      %and3A_189 = arith.andi %ge3A_185, %lt3A_188 : vector<16xi1>
      %jit3A_190 = arith.constant 5120 : i32
      %broadcast_in_dim3A_191 = vector.broadcast %jit3A_190 : i32 to vector<16xi32>
      %select_n3A_192 = arith.select %and3A_189, %sub3A_182, %broadcast_in_dim3A_191 : vector<16xi1>, vector<16xi32>
      %swap3A_193 = arith.constant 64 : index
      %swap3A_194 = tpu.vector_load %arg8[%swap3A_193] {strides = array<i32>} : memref<128xi32, #tpu.memory_space<vmem>>, vector<16xi32>,
      tpu.vector_store %arg8[%swap3A_193], %select_n3A_192 {strides = array<i32>} : memref<128xi32, #tpu.memory_space<vmem>>, vector<16xi32>,
      %get3A_195 = arith.index_cast %scan3A_60 : i32 to index
      %get3A_196 = arith.constant 80 : index
      %get3A_197 = tpu.vector_load %arg7[%get3A_195, %get3A_196] {strides = array<i32>} : memref<160x128xi32, #tpu.memory_space<vmem>>, vector<16xi32>,
      %broadcast_in_dim3A_198 = arith.constant true
      %broadcast_in_dim3A_199 = vector.broadcast %broadcast_in_dim3A_198 : i1 to vector<16xi1>
      %unique3A_200, %unique3A_201 = tpu.scan_count mask(%broadcast_in_dim3A_199 : vector<16xi1>) value(%get3A_197 : vector<16xi32>) : vector<16xi1>, vector<16xi32>
      %shift_right_logical3A_202 = arith.constant 7 : i32
      %shift_right_logical3A_203 = vector.broadcast %shift_right_logical3A_202 : i32 to vector<16xi32>
      %shift_right_logical3A_204 = arith.shrui %get3A_197, %shift_right_logical3A_203 : vector<16xi32>
      %and3A_205 = arith.constant 127 : i32
      %and3A_206 = vector.broadcast %and3A_205 : i32 to vector<16xi32>
      %and3A_207 = arith.andi %get3A_197, %and3A_206 : vector<16xi32>
      %convert_element_type3A_208 = arith.sitofp %unique3A_201 : vector<16xi32> to vector<16xf32>
      tpu.vector_store_idx %arg11[%shift_right_logical3A_204, %and3A_207], %convert_element_type3A_208 masked %unique3A_200 {add = true} : memref<80x128xf32, #tpu.memory_space<vmem>>[vector<16xi32>, vector<16xi32>], vector<16xf32>, vector<16xi1>
      %sub3A_209 = vector.broadcast %mul3A_0 : i32 to vector<16xi32>
      %sub3A_210 = arith.subi %get3A_197, %sub3A_209 : vector<16xi32>
      %ge3A_211 = arith.constant 0 : i32
      %ge3A_212 = vector.broadcast %ge3A_211 : i32 to vector<16xi32>
      %ge3A_213 = arith.cmpi sge, %sub3A_210, %ge3A_212 : vector<16xi32>
      %lt3A_214 = arith.constant 5120 : i32
      %lt3A_215 = vector.broadcast %lt3A_214 : i32 to vector<16xi32>
      %lt3A_216 = arith.cmpi slt, %sub3A_210, %lt3A_215 : vector<16xi32>
      %and3A_217 = arith.andi %ge3A_213, %lt3A_216 : vector<16xi1>
      %jit3A_218 = arith.constant 5120 : i32
      %broadcast_in_dim3A_219 = vector.broadcast %jit3A_218 : i32 to vector<16xi32>
      %select_n3A_220 = arith.select %and3A_217, %sub3A_210, %broadcast_in_dim3A_219 : vector<16xi1>, vector<16xi32>
      %swap3A_221 = arith.constant 80 : index
      %swap3A_222 = tpu.vector_load %arg8[%swap3A_221] {strides = array<i32>} : memref<128xi32, #tpu.memory_space<vmem>>, vector<16xi32>,
      tpu.vector_store %arg8[%swap3A_221], %select_n3A_220 {strides = array<i32>} : memref<128xi32, #tpu.memory_space<vmem>>, vector<16xi32>,
      %get3A_223 = arith.index_cast %scan3A_60 : i32 to index
      %get3A_224 = arith.constant 96 : index
      %get3A_225 = tpu.vector_load %arg7[%get3A_223, %get3A_224] {strides = array<i32>} : memref<160x128xi32, #tpu.memory_space<vmem>>, vector<16xi32>,
      %broadcast_in_dim3A_226 = arith.constant true
      %broadcast_in_dim3A_227 = vector.broadcast %broadcast_in_dim3A_226 : i1 to vector<16xi1>
      %unique3A_228, %unique3A_229 = tpu.scan_count mask(%broadcast_in_dim3A_227 : vector<16xi1>) value(%get3A_225 : vector<16xi32>) : vector<16xi1>, vector<16xi32>
      %shift_right_logical3A_230 = arith.constant 7 : i32
      %shift_right_logical3A_231 = vector.broadcast %shift_right_logical3A_230 : i32 to vector<16xi32>
      %shift_right_logical3A_232 = arith.shrui %get3A_225, %shift_right_logical3A_231 : vector<16xi32>
      %and3A_233 = arith.constant 127 : i32
      %and3A_234 = vector.broadcast %and3A_233 : i32 to vector<16xi32>
      %and3A_235 = arith.andi %get3A_225, %and3A_234 : vector<16xi32>
      %convert_element_type3A_236 = arith.sitofp %unique3A_229 : vector<16xi32> to vector<16xf32>
      tpu.vector_store_idx %arg11[%shift_right_logical3A_232, %and3A_235], %convert_element_type3A_236 masked %unique3A_228 {add = true} : memref<80x128xf32, #tpu.memory_space<vmem>>[vector<16xi32>, vector<16xi32>], vector<16xf32>, vector<16xi1>
      %sub3A_237 = vector.broadcast %mul3A_0 : i32 to vector<16xi32>
      %sub3A_238 = arith.subi %get3A_225, %sub3A_237 : vector<16xi32>
      %ge3A_239 = arith.constant 0 : i32
      %ge3A_240 = vector.broadcast %ge3A_239 : i32 to vector<16xi32>
      %ge3A_241 = arith.cmpi sge, %sub3A_238, %ge3A_240 : vector<16xi32>
      %lt3A_242 = arith.constant 5120 : i32
      %lt3A_243 = vector.broadcast %lt3A_242 : i32 to vector<16xi32>
      %lt3A_244 = arith.cmpi slt, %sub3A_238, %lt3A_243 : vector<16xi32>
      %and3A_245 = arith.andi %ge3A_241, %lt3A_244 : vector<16xi1>
      %jit3A_246 = arith.constant 5120 : i32
      %broadcast_in_dim3A_247 = vector.broadcast %jit3A_246 : i32 to vector<16xi32>
      %select_n3A_248 = arith.select %and3A_245, %sub3A_238, %broadcast_in_dim3A_247 : vector<16xi1>, vector<16xi32>
      %swap3A_249 = arith.constant 96 : index
      %swap3A_250 = tpu.vector_load %arg8[%swap3A_249] {strides = array<i32>} : memref<128xi32, #tpu.memory_space<vmem>>, vector<16xi32>,
      tpu.vector_store %arg8[%swap3A_249], %select_n3A_248 {strides = array<i32>} : memref<128xi32, #tpu.memory_space<vmem>>, vector<16xi32>,
      %get3A_251 = arith.index_cast %scan3A_60 : i32 to index
      %get3A_252 = arith.constant 112 : index
      %get3A_253 = tpu.vector_load %arg7[%get3A_251, %get3A_252] {strides = array<i32>} : memref<160x128xi32, #tpu.memory_space<vmem>>, vector<16xi32>,
      %broadcast_in_dim3A_254 = arith.constant true
      %broadcast_in_dim3A_255 = vector.broadcast %broadcast_in_dim3A_254 : i1 to vector<16xi1>
      %unique3A_256, %unique3A_257 = tpu.scan_count mask(%broadcast_in_dim3A_255 : vector<16xi1>) value(%get3A_253 : vector<16xi32>) : vector<16xi1>, vector<16xi32>
      %shift_right_logical3A_258 = arith.constant 7 : i32
      %shift_right_logical3A_259 = vector.broadcast %shift_right_logical3A_258 : i32 to vector<16xi32>
      %shift_right_logical3A_260 = arith.shrui %get3A_253, %shift_right_logical3A_259 : vector<16xi32>
      %and3A_261 = arith.constant 127 : i32
      %and3A_262 = vector.broadcast %and3A_261 : i32 to vector<16xi32>
      %and3A_263 = arith.andi %get3A_253, %and3A_262 : vector<16xi32>
      %convert_element_type3A_264 = arith.sitofp %unique3A_257 : vector<16xi32> to vector<16xf32>
      tpu.vector_store_idx %arg11[%shift_right_logical3A_260, %and3A_263], %convert_element_type3A_264 masked %unique3A_256 {add = true} : memref<80x128xf32, #tpu.memory_space<vmem>>[vector<16xi32>, vector<16xi32>], vector<16xf32>, vector<16xi1>
      %sub3A_265 = vector.broadcast %mul3A_0 : i32 to vector<16xi32>
      %sub3A_266 = arith.subi %get3A_253, %sub3A_265 : vector<16xi32>
      %ge3A_267 = arith.constant 0 : i32
      %ge3A_268 = vector.broadcast %ge3A_267 : i32 to vector<16xi32>
      %ge3A_269 = arith.cmpi sge, %sub3A_266, %ge3A_268 : vector<16xi32>
      %lt3A_270 = arith.constant 5120 : i32
      %lt3A_271 = vector.broadcast %lt3A_270 : i32 to vector<16xi32>
      %lt3A_272 = arith.cmpi slt, %sub3A_266, %lt3A_271 : vector<16xi32>
      %and3A_273 = arith.andi %ge3A_269, %lt3A_272 : vector<16xi1>
      %jit3A_274 = arith.constant 5120 : i32
      %broadcast_in_dim3A_275 = vector.broadcast %jit3A_274 : i32 to vector<16xi32>
      %select_n3A_276 = arith.select %and3A_273, %sub3A_266, %broadcast_in_dim3A_275 : vector<16xi1>, vector<16xi32>
      %swap3A_277 = arith.constant 112 : index
      %swap3A_278 = tpu.vector_load %arg8[%swap3A_277] {strides = array<i32>} : memref<128xi32, #tpu.memory_space<vmem>>, vector<16xi32>,
      tpu.vector_store %arg8[%swap3A_277], %select_n3A_276 {strides = array<i32>} : memref<128xi32, #tpu.memory_space<vmem>>, vector<16xi32>,
      %dma_wait3A = arith.constant 0 : i32
      %dma_wait3A_279 = tpu.memref_slice %arg6[%scan3A_60, %dma_wait3A] : memref<160x128xi32, #tpu.memory_space<vmem>> -> memref<1x128xi32, #tpu.memory_space<vmem>>
      %dma_wait3A_280 = tpu.memref_squeeze %dma_wait3A_279 : memref<1x128xi32, #tpu.memory_space<vmem>> -> memref<128xi32, #tpu.memory_space<vmem>>
      %dma_wait3A_281 = arith.constant 0 : i32
      %dma_wait3A_282 = arith.constant 0 : i32
      %dma_wait3A_283 = tpu.memref_slice %arg2[%dma_wait3A_281, %dma_wait3A_282] : memref<10240x128xf32, #tpu.memory_space<hbm>> -> memref<10240x128xf32, #tpu.memory_space<hbm>>
      tpu.wait_indirect_dma semaphore(%arg15 : memref<!tpu.dma_semaphore, #tpu.memory_space<semaphore_mem>>) src(%dma_wait3A_283 : memref<10240x128xf32, #tpu.memory_space<hbm>>) dst(%arg9 : memref<128x128xf32, #tpu.memory_space<vmem>>)
      "tpu.region"() ({
        %run_scoped3A = tpu.sem_alloc : memref<!tpu.dma_semaphore, #tpu.memory_space<semaphore_mem>>
        %dma_start3A_284 = arith.constant 0 : i32
        %dma_start3A_285 = arith.constant 0 : i32
        %dma_start3A_286 = tpu.memref_slice %arg13[%dma_start3A_284, %dma_start3A_285] : memref<5128x128xf32, #tpu.memory_space<vmem_shared>> -> memref<5128x128xf32, #tpu.memory_space<vmem_shared>>
        tpu.enqueue_indirect_dma source(%arg9 : memref<128x128xf32, #tpu.memory_space<vmem>>) target(%dma_start3A_286 : memref<5128x128xf32, #tpu.memory_space<vmem_shared>>) offsets(%arg8 : memref<128xi32, #tpu.memory_space<vmem>>) semaphore(%run_scoped3A : memref<!tpu.dma_semaphore, #tpu.memory_space<semaphore_mem>>) {add = true}
        %dma_wait3A_287 = arith.constant 0 : i32
        %dma_wait3A_288 = arith.constant 0 : i32
        %dma_wait3A_289 = tpu.memref_slice %arg13[%dma_wait3A_287, %dma_wait3A_288] : memref<5128x128xf32, #tpu.memory_space<vmem_shared>> -> memref<5128x128xf32, #tpu.memory_space<vmem_shared>>
        tpu.wait_indirect_dma semaphore(%run_scoped3A : memref<!tpu.dma_semaphore, #tpu.memory_space<semaphore_mem>>) src(%arg9 : memref<128x128xf32, #tpu.memory_space<vmem>>) dst(%dma_wait3A_289 : memref<5128x128xf32, #tpu.memory_space<vmem_shared>>)
        tpu.yield
      }) : () -> ()
    }
    %scan3A_32 = arith.constant 160 : i32
    "tpu.region"() ({
      %run_scoped3A = tpu.sem_alloc : memref<!tpu.dma_semaphore, #tpu.memory_space<semaphore_mem>>
      %dma_start3A = arith.constant 0 : i32
      %dma_start3A_60 = arith.constant 0 : i32
      %dma_start3A_61 = tpu.memref_slice %arg14[%dma_start3A, %dma_start3A_60] : memref<80x128xf32, #tpu.memory_space<vmem_shared>> -> memref<80x128xf32, #tpu.memory_space<vmem_shared>>
      tpu.enqueue_indirect_dma source(%arg11 : memref<80x128xf32, #tpu.memory_space<vmem>>) target(%dma_start3A_61 : memref<80x128xf32, #tpu.memory_space<vmem_shared>>) offsets(%arg12 : memref<80xi32, #tpu.memory_space<vmem>>) semaphore(%run_scoped3A : memref<!tpu.dma_semaphore, #tpu.memory_space<semaphore_mem>>) {add = true}
      %dma_wait3A = arith.constant 0 : i32
      %dma_wait3A_62 = arith.constant 0 : i32
      %dma_wait3A_63 = tpu.memref_slice %arg14[%dma_wait3A, %dma_wait3A_62] : memref<80x128xf32, #tpu.memory_space<vmem_shared>> -> memref<80x128xf32, #tpu.memory_space<vmem_shared>>
      tpu.wait_indirect_dma semaphore(%run_scoped3A : memref<!tpu.dma_semaphore, #tpu.memory_space<semaphore_mem>>) src(%arg11 : memref<80x128xf32, #tpu.memory_space<vmem>>) dst(%dma_wait3A_63 : memref<80x128xf32, #tpu.memory_space<vmem_shared>>)
      tpu.yield
    }) : () -> ()
    %barrier3A_33 = arith.constant 0 : index
    tpu.barrier barrier_id(%barrier3A_33)
    "tpu.region"() ({
      %run_scoped3A = tpu.sem_alloc : memref<!tpu.dma_semaphore, #tpu.memory_space<semaphore_mem>>
      tpu.enqueue_dma source(%arg14 : memref<80x128xf32, #tpu.memory_space<vmem_shared>>) target(%arg11 : memref<80x128xf32, #tpu.memory_space<vmem>>) target_semaphore(%run_scoped3A : memref<!tpu.dma_semaphore, #tpu.memory_space<semaphore_mem>>)
      tpu.wait_dma2 semaphore(%run_scoped3A : memref<!tpu.dma_semaphore, #tpu.memory_space<semaphore_mem>>) src(%arg14 : memref<80x128xf32, #tpu.memory_space<vmem_shared>>) dst(%arg11 : memref<80x128xf32, #tpu.memory_space<vmem>>)
      tpu.yield
    }) : () -> ()
    %mul3A_34 = arith.constant 320 : i32
    %mul3A_35 = arith.muli %arg1, %mul3A_34 : i32
    %add3A_36 = arith.constant 0 : i32
    %add3A_37 = arith.addi %mul3A_35, %add3A_36 : i32
    "tpu.region"() ({
      %run_scoped3A = tpu.sem_alloc : memref<!tpu.dma_semaphore, #tpu.memory_space<semaphore_mem>>
      %dma_start3A = arith.constant 0 : i32
      %dma_start3A_60 = arith.constant 0 : i32
      %dma_start3A_61 = tpu.memref_slice %arg10[%dma_start3A, %dma_start3A_60] : memref<160x128xf32, #tpu.memory_space<vmem>> -> memref<160x128xf32, #tpu.memory_space<vmem>>
      %dma_start3A_62 = arith.constant 0 : i32
      %dma_start3A_63 = tpu.memref_slice %arg13[%add3A_37, %dma_start3A_62] : memref<5128x128xf32, #tpu.memory_space<vmem_shared>> -> memref<160x128xf32, #tpu.memory_space<vmem_shared>>
      %dma_start3A_64 = arith.constant 0 : i32
      %dma_start3A_65 = arith.constant 0 : i32
      %dma_start3A_66 = tpu.memref_slice %arg10[%dma_start3A_64, %dma_start3A_65] : memref<160x128xf32, #tpu.memory_space<vmem>> -> memref<160x128xf32, #tpu.memory_space<vmem>>
      %dma_start3A_67 = arith.constant 0 : i32
      %dma_start3A_68 = tpu.memref_slice %arg13[%add3A_37, %dma_start3A_67] : memref<5128x128xf32, #tpu.memory_space<vmem_shared>> -> memref<160x128xf32, #tpu.memory_space<vmem_shared>>
      tpu.enqueue_dma source(%dma_start3A_68 : memref<160x128xf32, #tpu.memory_space<vmem_shared>>) target(%dma_start3A_66 : memref<160x128xf32, #tpu.memory_space<vmem>>) target_semaphore(%run_scoped3A : memref<!tpu.dma_semaphore, #tpu.memory_space<semaphore_mem>>)
      %dma_wait3A = arith.constant 0 : i32
      %dma_wait3A_69 = arith.constant 0 : i32
      %dma_wait3A_70 = tpu.memref_slice %arg10[%dma_wait3A, %dma_wait3A_69] : memref<160x128xf32, #tpu.memory_space<vmem>> -> memref<160x128xf32, #tpu.memory_space<vmem>>
      %dma_wait3A_71 = arith.constant 0 : i32
      %dma_wait3A_72 = tpu.memref_slice %arg13[%add3A_37, %dma_wait3A_71] : memref<5128x128xf32, #tpu.memory_space<vmem_shared>> -> memref<160x128xf32, #tpu.memory_space<vmem_shared>>
      %dma_wait3A_73 = arith.constant 0 : i32
      %dma_wait3A_74 = arith.constant 0 : i32
      %dma_wait3A_75 = tpu.memref_slice %arg10[%dma_wait3A_73, %dma_wait3A_74] : memref<160x128xf32, #tpu.memory_space<vmem>> -> memref<160x128xf32, #tpu.memory_space<vmem>>
      %dma_wait3A_76 = arith.constant 0 : i32
      %dma_wait3A_77 = tpu.memref_slice %arg13[%add3A_37, %dma_wait3A_76] : memref<5128x128xf32, #tpu.memory_space<vmem_shared>> -> memref<160x128xf32, #tpu.memory_space<vmem_shared>>
      tpu.wait_dma2 semaphore(%run_scoped3A : memref<!tpu.dma_semaphore, #tpu.memory_space<semaphore_mem>>) src(%dma_wait3A_77 : memref<160x128xf32, #tpu.memory_space<vmem_shared>>) dst(%dma_wait3A_75 : memref<160x128xf32, #tpu.memory_space<vmem>>)
      tpu.yield
    }) : () -> ()
    %scan3A_38 = arith.constant 0 : i32
    %scan3A_39 = arith.constant 160 : i32
    %scan3A_40 = arith.addi %scan3A_38, %scan3A_39 : i32
    %scan3A_41 = arith.constant 1 : i32
    scf.for %scan3A_60 = %scan3A_38 to %scan3A_40 step %scan3A_41  : i32 {
      %mul3A_61 = arith.constant 320 : i32
      %mul3A_62 = arith.muli %arg1, %mul3A_61 : i32
      %add3A_63 = arith.addi %mul3A_0, %mul3A_62 : i32
      %add3A_64 = arith.constant 0 : i32
      %add3A_65 = arith.addi %add3A_63, %add3A_64 : i32
      %add3A_66 = arith.addi %add3A_65, %scan3A_60 : i32
      %shift_right_logical3A = arith.constant 7 : i32
      %shift_right_logical3A_67 = arith.shrui %add3A_66, %shift_right_logical3A : i32
      %broadcast_in_dim3A = vector.broadcast %shift_right_logical3A_67 : i32 to vector<16xi32>
      %and3A = arith.constant 127 : i32
      %and3A_68 = arith.andi %add3A_66, %and3A : i32
      %broadcast_in_dim3A_69 = vector.broadcast %and3A_68 : i32 to vector<16xi32>
      %gather3A = tpu.vector_load_idx %arg11[%broadcast_in_dim3A, %broadcast_in_dim3A_69] : memref<80x128xf32, #tpu.memory_space<vmem>>[vector<16xi32>, vector<16xi32>], vector<16xf32>,
      %max3A = arith.constant 1.000000e+00 : f32
      %max3A_70 = vector.broadcast %max3A : f32 to vector<16xf32>
      %max3A_71 = arith.maximumf %gather3A, %max3A_70 : vector<16xf32>
      %div3A = arith.constant 1.000000e+00 : f32
      %div3A_72 = vector.broadcast %div3A : f32 to vector<16xf32>
      %div3A_73 = arith.divf %div3A_72, %max3A_71 : vector<16xf32>
      %get3A = arith.index_cast %scan3A_60 : i32 to index
      %get3A_74 = arith.constant 0 : index
      %get3A_75 = tpu.vector_load %arg10[%get3A, %get3A_74] {strides = array<i32>} : memref<160x128xf32, #tpu.memory_space<vmem>>, vector<16xf32>,
      %mul3A_76 = arith.mulf %get3A_75, %div3A_73 : vector<16xf32>
      %swap3A = arith.index_cast %scan3A_60 : i32 to index
      %swap3A_77 = arith.constant 0 : index
      %swap3A_78 = tpu.vector_load %arg10[%swap3A, %swap3A_77] {strides = array<i32>} : memref<160x128xf32, #tpu.memory_space<vmem>>, vector<16xf32>,
      tpu.vector_store %arg10[%swap3A, %swap3A_77], %mul3A_76 {strides = array<i32>} : memref<160x128xf32, #tpu.memory_space<vmem>>, vector<16xf32>,
      %get3A_79 = arith.index_cast %scan3A_60 : i32 to index
      %get3A_80 = arith.constant 16 : index
      %get3A_81 = tpu.vector_load %arg10[%get3A_79, %get3A_80] {strides = array<i32>} : memref<160x128xf32, #tpu.memory_space<vmem>>, vector<16xf32>,
      %mul3A_82 = arith.mulf %get3A_81, %div3A_73 : vector<16xf32>
      %swap3A_83 = arith.index_cast %scan3A_60 : i32 to index
      %swap3A_84 = arith.constant 16 : index
      %swap3A_85 = tpu.vector_load %arg10[%swap3A_83, %swap3A_84] {strides = array<i32>} : memref<160x128xf32, #tpu.memory_space<vmem>>, vector<16xf32>,
      tpu.vector_store %arg10[%swap3A_83, %swap3A_84], %mul3A_82 {strides = array<i32>} : memref<160x128xf32, #tpu.memory_space<vmem>>, vector<16xf32>,
      %get3A_86 = arith.index_cast %scan3A_60 : i32 to index
      %get3A_87 = arith.constant 32 : index
      %get3A_88 = tpu.vector_load %arg10[%get3A_86, %get3A_87] {strides = array<i32>} : memref<160x128xf32, #tpu.memory_space<vmem>>, vector<16xf32>,
      %mul3A_89 = arith.mulf %get3A_88, %div3A_73 : vector<16xf32>
      %swap3A_90 = arith.index_cast %scan3A_60 : i32 to index
      %swap3A_91 = arith.constant 32 : index
      %swap3A_92 = tpu.vector_load %arg10[%swap3A_90, %swap3A_91] {strides = array<i32>} : memref<160x128xf32, #tpu.memory_space<vmem>>, vector<16xf32>,
      tpu.vector_store %arg10[%swap3A_90, %swap3A_91], %mul3A_89 {strides = array<i32>} : memref<160x128xf32, #tpu.memory_space<vmem>>, vector<16xf32>,
      %get3A_93 = arith.index_cast %scan3A_60 : i32 to index
      %get3A_94 = arith.constant 48 : index
      %get3A_95 = tpu.vector_load %arg10[%get3A_93, %get3A_94] {strides = array<i32>} : memref<160x128xf32, #tpu.memory_space<vmem>>, vector<16xf32>,
      %mul3A_96 = arith.mulf %get3A_95, %div3A_73 : vector<16xf32>
      %swap3A_97 = arith.index_cast %scan3A_60 : i32 to index
      %swap3A_98 = arith.constant 48 : index
      %swap3A_99 = tpu.vector_load %arg10[%swap3A_97, %swap3A_98] {strides = array<i32>} : memref<160x128xf32, #tpu.memory_space<vmem>>, vector<16xf32>,
      tpu.vector_store %arg10[%swap3A_97, %swap3A_98], %mul3A_96 {strides = array<i32>} : memref<160x128xf32, #tpu.memory_space<vmem>>, vector<16xf32>,
      %get3A_100 = arith.index_cast %scan3A_60 : i32 to index
      %get3A_101 = arith.constant 64 : index
      %get3A_102 = tpu.vector_load %arg10[%get3A_100, %get3A_101] {strides = array<i32>} : memref<160x128xf32, #tpu.memory_space<vmem>>, vector<16xf32>,
      %mul3A_103 = arith.mulf %get3A_102, %div3A_73 : vector<16xf32>
      %swap3A_104 = arith.index_cast %scan3A_60 : i32 to index
      %swap3A_105 = arith.constant 64 : index
      %swap3A_106 = tpu.vector_load %arg10[%swap3A_104, %swap3A_105] {strides = array<i32>} : memref<160x128xf32, #tpu.memory_space<vmem>>, vector<16xf32>,
      tpu.vector_store %arg10[%swap3A_104, %swap3A_105], %mul3A_103 {strides = array<i32>} : memref<160x128xf32, #tpu.memory_space<vmem>>, vector<16xf32>,
      %get3A_107 = arith.index_cast %scan3A_60 : i32 to index
      %get3A_108 = arith.constant 80 : index
      %get3A_109 = tpu.vector_load %arg10[%get3A_107, %get3A_108] {strides = array<i32>} : memref<160x128xf32, #tpu.memory_space<vmem>>, vector<16xf32>,
      %mul3A_110 = arith.mulf %get3A_109, %div3A_73 : vector<16xf32>
      %swap3A_111 = arith.index_cast %scan3A_60 : i32 to index
      %swap3A_112 = arith.constant 80 : index
      %swap3A_113 = tpu.vector_load %arg10[%swap3A_111, %swap3A_112] {strides = array<i32>} : memref<160x128xf32, #tpu.memory_space<vmem>>, vector<16xf32>,
      tpu.vector_store %arg10[%swap3A_111, %swap3A_112], %mul3A_110 {strides = array<i32>} : memref<160x128xf32, #tpu.memory_space<vmem>>, vector<16xf32>,
      %get3A_114 = arith.index_cast %scan3A_60 : i32 to index
      %get3A_115 = arith.constant 96 : index
      %get3A_116 = tpu.vector_load %arg10[%get3A_114, %get3A_115] {strides = array<i32>} : memref<160x128xf32, #tpu.memory_space<vmem>>, vector<16xf32>,
      %mul3A_117 = arith.mulf %get3A_116, %div3A_73 : vector<16xf32>
      %swap3A_118 = arith.index_cast %scan3A_60 : i32 to index
      %swap3A_119 = arith.constant 96 : index
      %swap3A_120 = tpu.vector_load %arg10[%swap3A_118, %swap3A_119] {strides = array<i32>} : memref<160x128xf32, #tpu.memory_space<vmem>>, vector<16xf32>,
      tpu.vector_store %arg10[%swap3A_118, %swap3A_119], %mul3A_117 {strides = array<i32>} : memref<160x128xf32, #tpu.memory_space<vmem>>, vector<16xf32>,
      %get3A_121 = arith.index_cast %scan3A_60 : i32 to index
      %get3A_122 = arith.constant 112 : index
      %get3A_123 = tpu.vector_load %arg10[%get3A_121, %get3A_122] {strides = array<i32>} : memref<160x128xf32, #tpu.memory_space<vmem>>, vector<16xf32>,
      %mul3A_124 = arith.mulf %get3A_123, %div3A_73 : vector<16xf32>
      %swap3A_125 = arith.index_cast %scan3A_60 : i32 to index
      %swap3A_126 = arith.constant 112 : index
      %swap3A_127 = tpu.vector_load %arg10[%swap3A_125, %swap3A_126] {strides = array<i32>} : memref<160x128xf32, #tpu.memory_space<vmem>>, vector<16xf32>,
      tpu.vector_store %arg10[%swap3A_125, %swap3A_126], %mul3A_124 {strides = array<i32>} : memref<160x128xf32, #tpu.memory_space<vmem>>, vector<16xf32>,
    }
    %scan3A_42 = arith.constant 160 : i32
    %mul3A_43 = arith.constant 320 : i32
    %mul3A_44 = arith.muli %arg1, %mul3A_43 : i32
    %add3A_45 = arith.constant 0 : i32
    %add3A_46 = arith.addi %mul3A_44, %add3A_45 : i32
    "tpu.region"() ({
      %run_scoped3A = tpu.sem_alloc : memref<!tpu.dma_semaphore, #tpu.memory_space<semaphore_mem>>
      %dma_start3A = arith.constant 0 : i32
      %dma_start3A_60 = arith.constant 0 : i32
      %dma_start3A_61 = tpu.memref_slice %arg10[%dma_start3A, %dma_start3A_60] : memref<160x128xf32, #tpu.memory_space<vmem>> -> memref<160x128xf32, #tpu.memory_space<vmem>>
      %dma_start3A_62 = arith.constant 0 : i32
      %dma_start3A_63 = tpu.memref_slice %arg5[%arg0, %add3A_46, %dma_start3A_62] : memref<2x5120x128xf32, #tpu.memory_space<hbm>> -> memref<1x160x128xf32, #tpu.memory_space<hbm>>
      %dma_start3A_64 = tpu.memref_squeeze %dma_start3A_63 : memref<1x160x128xf32, #tpu.memory_space<hbm>> -> memref<160x128xf32, #tpu.memory_space<hbm>>
      %dma_start3A_65 = arith.constant 0 : i32
      %dma_start3A_66 = tpu.memref_slice %arg5[%arg0, %add3A_46, %dma_start3A_65] : memref<2x5120x128xf32, #tpu.memory_space<hbm>> -> memref<1x160x128xf32, #tpu.memory_space<hbm>>
      %dma_start3A_67 = tpu.memref_squeeze %dma_start3A_66 : memref<1x160x128xf32, #tpu.memory_space<hbm>> -> memref<160x128xf32, #tpu.memory_space<hbm>>
      %dma_start3A_68 = arith.constant 0 : i32
      %dma_start3A_69 = arith.constant 0 : i32
      %dma_start3A_70 = tpu.memref_slice %arg10[%dma_start3A_68, %dma_start3A_69] : memref<160x128xf32, #tpu.memory_space<vmem>> -> memref<160x128xf32, #tpu.memory_space<vmem>>
      tpu.enqueue_dma source(%dma_start3A_70 : memref<160x128xf32, #tpu.memory_space<vmem>>) target(%dma_start3A_67 : memref<160x128xf32, #tpu.memory_space<hbm>>) target_semaphore(%run_scoped3A : memref<!tpu.dma_semaphore, #tpu.memory_space<semaphore_mem>>)
      %dma_wait3A = arith.constant 0 : i32
      %dma_wait3A_71 = arith.constant 0 : i32
      %dma_wait3A_72 = tpu.memref_slice %arg10[%dma_wait3A, %dma_wait3A_71] : memref<160x128xf32, #tpu.memory_space<vmem>> -> memref<160x128xf32, #tpu.memory_space<vmem>>
      %dma_wait3A_73 = arith.constant 0 : i32
      %dma_wait3A_74 = tpu.memref_slice %arg5[%arg0, %add3A_46, %dma_wait3A_73] : memref<2x5120x128xf32, #tpu.memory_space<hbm>> -> memref<1x160x128xf32, #tpu.memory_space<hbm>>
      %dma_wait3A_75 = tpu.memref_squeeze %dma_wait3A_74 : memref<1x160x128xf32, #tpu.memory_space<hbm>> -> memref<160x128xf32, #tpu.memory_space<hbm>>
      %dma_wait3A_76 = arith.constant 0 : i32
      %dma_wait3A_77 = tpu.memref_slice %arg5[%arg0, %add3A_46, %dma_wait3A_76] : memref<2x5120x128xf32, #tpu.memory_space<hbm>> -> memref<1x160x128xf32, #tpu.memory_space<hbm>>
      %dma_wait3A_78 = tpu.memref_squeeze %dma_wait3A_77 : memref<1x160x128xf32, #tpu.memory_space<hbm>> -> memref<160x128xf32, #tpu.memory_space<hbm>>
      %dma_wait3A_79 = arith.constant 0 : i32
      %dma_wait3A_80 = arith.constant 0 : i32
      %dma_wait3A_81 = tpu.memref_slice %arg10[%dma_wait3A_79, %dma_wait3A_80] : memref<160x128xf32, #tpu.memory_space<vmem>> -> memref<160x128xf32, #tpu.memory_space<vmem>>
      tpu.wait_dma2 semaphore(%run_scoped3A : memref<!tpu.dma_semaphore, #tpu.memory_space<semaphore_mem>>) src(%dma_wait3A_81 : memref<160x128xf32, #tpu.memory_space<vmem>>) dst(%dma_wait3A_78 : memref<160x128xf32, #tpu.memory_space<hbm>>)
      tpu.yield
    }) : () -> ()
    %mul3A_47 = arith.constant 320 : i32
    %mul3A_48 = arith.muli %arg1, %mul3A_47 : i32
    %add3A_49 = arith.constant 160 : i32
    %add3A_50 = arith.addi %mul3A_48, %add3A_49 : i32
    "tpu.region"() ({
      %run_scoped3A = tpu.sem_alloc : memref<!tpu.dma_semaphore, #tpu.memory_space<semaphore_mem>>
      %dma_start3A = arith.constant 0 : i32
      %dma_start3A_60 = arith.constant 0 : i32
      %dma_start3A_61 = tpu.memref_slice %arg10[%dma_start3A, %dma_start3A_60] : memref<160x128xf32, #tpu.memory_space<vmem>> -> memref<160x128xf32, #tpu.memory_space<vmem>>
      %dma_start3A_62 = arith.constant 0 : i32
      %dma_start3A_63 = tpu.memref_slice %arg13[%add3A_50, %dma_start3A_62] : memref<5128x128xf32, #tpu.memory_space<vmem_shared>> -> memref<160x128xf32, #tpu.memory_space<vmem_shared>>
      %dma_start3A_64 = arith.constant 0 : i32
      %dma_start3A_65 = arith.constant 0 : i32
      %dma_start3A_66 = tpu.memref_slice %arg10[%dma_start3A_64, %dma_start3A_65] : memref<160x128xf32, #tpu.memory_space<vmem>> -> memref<160x128xf32, #tpu.memory_space<vmem>>
      %dma_start3A_67 = arith.constant 0 : i32
      %dma_start3A_68 = tpu.memref_slice %arg13[%add3A_50, %dma_start3A_67] : memref<5128x128xf32, #tpu.memory_space<vmem_shared>> -> memref<160x128xf32, #tpu.memory_space<vmem_shared>>
      tpu.enqueue_dma source(%dma_start3A_68 : memref<160x128xf32, #tpu.memory_space<vmem_shared>>) target(%dma_start3A_66 : memref<160x128xf32, #tpu.memory_space<vmem>>) target_semaphore(%run_scoped3A : memref<!tpu.dma_semaphore, #tpu.memory_space<semaphore_mem>>)
      %dma_wait3A = arith.constant 0 : i32
      %dma_wait3A_69 = arith.constant 0 : i32
      %dma_wait3A_70 = tpu.memref_slice %arg10[%dma_wait3A, %dma_wait3A_69] : memref<160x128xf32, #tpu.memory_space<vmem>> -> memref<160x128xf32, #tpu.memory_space<vmem>>
      %dma_wait3A_71 = arith.constant 0 : i32
      %dma_wait3A_72 = tpu.memref_slice %arg13[%add3A_50, %dma_wait3A_71] : memref<5128x128xf32, #tpu.memory_space<vmem_shared>> -> memref<160x128xf32, #tpu.memory_space<vmem_shared>>
      %dma_wait3A_73 = arith.constant 0 : i32
      %dma_wait3A_74 = arith.constant 0 : i32
      %dma_wait3A_75 = tpu.memref_slice %arg10[%dma_wait3A_73, %dma_wait3A_74] : memref<160x128xf32, #tpu.memory_space<vmem>> -> memref<160x128xf32, #tpu.memory_space<vmem>>
      %dma_wait3A_76 = arith.constant 0 : i32
      %dma_wait3A_77 = tpu.memref_slice %arg13[%add3A_50, %dma_wait3A_76] : memref<5128x128xf32, #tpu.memory_space<vmem_shared>> -> memref<160x128xf32, #tpu.memory_space<vmem_shared>>
      tpu.wait_dma2 semaphore(%run_scoped3A : memref<!tpu.dma_semaphore, #tpu.memory_space<semaphore_mem>>) src(%dma_wait3A_77 : memref<160x128xf32, #tpu.memory_space<vmem_shared>>) dst(%dma_wait3A_75 : memref<160x128xf32, #tpu.memory_space<vmem>>)
      tpu.yield
    }) : () -> ()
    %scan3A_51 = arith.constant 0 : i32
    %scan3A_52 = arith.constant 160 : i32
    %scan3A_53 = arith.addi %scan3A_51, %scan3A_52 : i32
    %scan3A_54 = arith.constant 1 : i32
    scf.for %scan3A_60 = %scan3A_51 to %scan3A_53 step %scan3A_54  : i32 {
      %mul3A_61 = arith.constant 320 : i32
      %mul3A_62 = arith.muli %arg1, %mul3A_61 : i32
      %add3A_63 = arith.addi %mul3A_0, %mul3A_62 : i32
      %add3A_64 = arith.constant 160 : i32
      %add3A_65 = arith.addi %add3A_63, %add3A_64 : i32
      %add3A_66 = arith.addi %add3A_65, %scan3A_60 : i32
      %shift_right_logical3A = arith.constant 7 : i32
      %shift_right_logical3A_67 = arith.shrui %add3A_66, %shift_right_logical3A : i32
      %broadcast_in_dim3A = vector.broadcast %shift_right_logical3A_67 : i32 to vector<16xi32>
      %and3A = arith.constant 127 : i32
      %and3A_68 = arith.andi %add3A_66, %and3A : i32
      %broadcast_in_dim3A_69 = vector.broadcast %and3A_68 : i32 to vector<16xi32>
      %gather3A = tpu.vector_load_idx %arg11[%broadcast_in_dim3A, %broadcast_in_dim3A_69] : memref<80x128xf32, #tpu.memory_space<vmem>>[vector<16xi32>, vector<16xi32>], vector<16xf32>,
      %max3A = arith.constant 1.000000e+00 : f32
      %max3A_70 = vector.broadcast %max3A : f32 to vector<16xf32>
      %max3A_71 = arith.maximumf %gather3A, %max3A_70 : vector<16xf32>
      %div3A = arith.constant 1.000000e+00 : f32
      %div3A_72 = vector.broadcast %div3A : f32 to vector<16xf32>
      %div3A_73 = arith.divf %div3A_72, %max3A_71 : vector<16xf32>
      %get3A = arith.index_cast %scan3A_60 : i32 to index
      %get3A_74 = arith.constant 0 : index
      %get3A_75 = tpu.vector_load %arg10[%get3A, %get3A_74] {strides = array<i32>} : memref<160x128xf32, #tpu.memory_space<vmem>>, vector<16xf32>,
      %mul3A_76 = arith.mulf %get3A_75, %div3A_73 : vector<16xf32>
      %swap3A = arith.index_cast %scan3A_60 : i32 to index
      %swap3A_77 = arith.constant 0 : index
      %swap3A_78 = tpu.vector_load %arg10[%swap3A, %swap3A_77] {strides = array<i32>} : memref<160x128xf32, #tpu.memory_space<vmem>>, vector<16xf32>,
      tpu.vector_store %arg10[%swap3A, %swap3A_77], %mul3A_76 {strides = array<i32>} : memref<160x128xf32, #tpu.memory_space<vmem>>, vector<16xf32>,
      %get3A_79 = arith.index_cast %scan3A_60 : i32 to index
      %get3A_80 = arith.constant 16 : index
      %get3A_81 = tpu.vector_load %arg10[%get3A_79, %get3A_80] {strides = array<i32>} : memref<160x128xf32, #tpu.memory_space<vmem>>, vector<16xf32>,
      %mul3A_82 = arith.mulf %get3A_81, %div3A_73 : vector<16xf32>
      %swap3A_83 = arith.index_cast %scan3A_60 : i32 to index
      %swap3A_84 = arith.constant 16 : index
      %swap3A_85 = tpu.vector_load %arg10[%swap3A_83, %swap3A_84] {strides = array<i32>} : memref<160x128xf32, #tpu.memory_space<vmem>>, vector<16xf32>,
      tpu.vector_store %arg10[%swap3A_83, %swap3A_84], %mul3A_82 {strides = array<i32>} : memref<160x128xf32, #tpu.memory_space<vmem>>, vector<16xf32>,
      %get3A_86 = arith.index_cast %scan3A_60 : i32 to index
      %get3A_87 = arith.constant 32 : index
      %get3A_88 = tpu.vector_load %arg10[%get3A_86, %get3A_87] {strides = array<i32>} : memref<160x128xf32, #tpu.memory_space<vmem>>, vector<16xf32>,
      %mul3A_89 = arith.mulf %get3A_88, %div3A_73 : vector<16xf32>
      %swap3A_90 = arith.index_cast %scan3A_60 : i32 to index
      %swap3A_91 = arith.constant 32 : index
      %swap3A_92 = tpu.vector_load %arg10[%swap3A_90, %swap3A_91] {strides = array<i32>} : memref<160x128xf32, #tpu.memory_space<vmem>>, vector<16xf32>,
      tpu.vector_store %arg10[%swap3A_90, %swap3A_91], %mul3A_89 {strides = array<i32>} : memref<160x128xf32, #tpu.memory_space<vmem>>, vector<16xf32>,
      %get3A_93 = arith.index_cast %scan3A_60 : i32 to index
      %get3A_94 = arith.constant 48 : index
      %get3A_95 = tpu.vector_load %arg10[%get3A_93, %get3A_94] {strides = array<i32>} : memref<160x128xf32, #tpu.memory_space<vmem>>, vector<16xf32>,
      %mul3A_96 = arith.mulf %get3A_95, %div3A_73 : vector<16xf32>
      %swap3A_97 = arith.index_cast %scan3A_60 : i32 to index
      %swap3A_98 = arith.constant 48 : index
      %swap3A_99 = tpu.vector_load %arg10[%swap3A_97, %swap3A_98] {strides = array<i32>} : memref<160x128xf32, #tpu.memory_space<vmem>>, vector<16xf32>,
      tpu.vector_store %arg10[%swap3A_97, %swap3A_98], %mul3A_96 {strides = array<i32>} : memref<160x128xf32, #tpu.memory_space<vmem>>, vector<16xf32>,
      %get3A_100 = arith.index_cast %scan3A_60 : i32 to index
      %get3A_101 = arith.constant 64 : index
      %get3A_102 = tpu.vector_load %arg10[%get3A_100, %get3A_101] {strides = array<i32>} : memref<160x128xf32, #tpu.memory_space<vmem>>, vector<16xf32>,
      %mul3A_103 = arith.mulf %get3A_102, %div3A_73 : vector<16xf32>
      %swap3A_104 = arith.index_cast %scan3A_60 : i32 to index
      %swap3A_105 = arith.constant 64 : index
      %swap3A_106 = tpu.vector_load %arg10[%swap3A_104, %swap3A_105] {strides = array<i32>} : memref<160x128xf32, #tpu.memory_space<vmem>>, vector<16xf32>,
      tpu.vector_store %arg10[%swap3A_104, %swap3A_105], %mul3A_103 {strides = array<i32>} : memref<160x128xf32, #tpu.memory_space<vmem>>, vector<16xf32>,
      %get3A_107 = arith.index_cast %scan3A_60 : i32 to index
      %get3A_108 = arith.constant 80 : index
      %get3A_109 = tpu.vector_load %arg10[%get3A_107, %get3A_108] {strides = array<i32>} : memref<160x128xf32, #tpu.memory_space<vmem>>, vector<16xf32>,
      %mul3A_110 = arith.mulf %get3A_109, %div3A_73 : vector<16xf32>
      %swap3A_111 = arith.index_cast %scan3A_60 : i32 to index
      %swap3A_112 = arith.constant 80 : index
      %swap3A_113 = tpu.vector_load %arg10[%swap3A_111, %swap3A_112] {strides = array<i32>} : memref<160x128xf32, #tpu.memory_space<vmem>>, vector<16xf32>,
      tpu.vector_store %arg10[%swap3A_111, %swap3A_112], %mul3A_110 {strides = array<i32>} : memref<160x128xf32, #tpu.memory_space<vmem>>, vector<16xf32>,
      %get3A_114 = arith.index_cast %scan3A_60 : i32 to index
      %get3A_115 = arith.constant 96 : index
      %get3A_116 = tpu.vector_load %arg10[%get3A_114, %get3A_115] {strides = array<i32>} : memref<160x128xf32, #tpu.memory_space<vmem>>, vector<16xf32>,
      %mul3A_117 = arith.mulf %get3A_116, %div3A_73 : vector<16xf32>
      %swap3A_118 = arith.index_cast %scan3A_60 : i32 to index
      %swap3A_119 = arith.constant 96 : index
      %swap3A_120 = tpu.vector_load %arg10[%swap3A_118, %swap3A_119] {strides = array<i32>} : memref<160x128xf32, #tpu.memory_space<vmem>>, vector<16xf32>,
      tpu.vector_store %arg10[%swap3A_118, %swap3A_119], %mul3A_117 {strides = array<i32>} : memref<160x128xf32, #tpu.memory_space<vmem>>, vector<16xf32>,
      %get3A_121 = arith.index_cast %scan3A_60 : i32 to index
      %get3A_122 = arith.constant 112 : index
      %get3A_123 = tpu.vector_load %arg10[%get3A_121, %get3A_122] {strides = array<i32>} : memref<160x128xf32, #tpu.memory_space<vmem>>, vector<16xf32>,
      %mul3A_124 = arith.mulf %get3A_123, %div3A_73 : vector<16xf32>
      %swap3A_125 = arith.index_cast %scan3A_60 : i32 to index
      %swap3A_126 = arith.constant 112 : index
      %swap3A_127 = tpu.vector_load %arg10[%swap3A_125, %swap3A_126] {strides = array<i32>} : memref<160x128xf32, #tpu.memory_space<vmem>>, vector<16xf32>,
      tpu.vector_store %arg10[%swap3A_125, %swap3A_126], %mul3A_124 {strides = array<i32>} : memref<160x128xf32, #tpu.memory_space<vmem>>, vector<16xf32>,
    }
    %scan3A_55 = arith.constant 160 : i32
    %mul3A_56 = arith.constant 320 : i32
    %mul3A_57 = arith.muli %arg1, %mul3A_56 : i32
    %add3A_58 = arith.constant 160 : i32
    %add3A_59 = arith.addi %mul3A_57, %add3A_58 : i32
    "tpu.region"() ({
      %run_scoped3A = tpu.sem_alloc : memref<!tpu.dma_semaphore, #tpu.memory_space<semaphore_mem>>
      %dma_start3A = arith.constant 0 : i32
      %dma_start3A_60 = arith.constant 0 : i32
      %dma_start3A_61 = tpu.memref_slice %arg10[%dma_start3A, %dma_start3A_60] : memref<160x128xf32, #tpu.memory_space<vmem>> -> memref<160x128xf32, #tpu.memory_space<vmem>>
      %dma_start3A_62 = arith.constant 0 : i32
      %dma_start3A_63 = tpu.memref_slice %arg5[%arg0, %add3A_59, %dma_start3A_62] : memref<2x5120x128xf32, #tpu.memory_space<hbm>> -> memref<1x160x128xf32, #tpu.memory_space<hbm>>
      %dma_start3A_64 = tpu.memref_squeeze %dma_start3A_63 : memref<1x160x128xf32, #tpu.memory_space<hbm>> -> memref<160x128xf32, #tpu.memory_space<hbm>>
      %dma_start3A_65 = arith.constant 0 : i32
      %dma_start3A_66 = tpu.memref_slice %arg5[%arg0, %add3A_59, %dma_start3A_65] : memref<2x5120x128xf32, #tpu.memory_space<hbm>> -> memref<1x160x128xf32, #tpu.memory_space<hbm>>
      %dma_start3A_67 = tpu.memref_squeeze %dma_start3A_66 : memref<1x160x128xf32, #tpu.memory_space<hbm>> -> memref<160x128xf32, #tpu.memory_space<hbm>>
      %dma_start3A_68 = arith.constant 0 : i32
      %dma_start3A_69 = arith.constant 0 : i32
      %dma_start3A_70 = tpu.memref_slice %arg10[%dma_start3A_68, %dma_start3A_69] : memref<160x128xf32, #tpu.memory_space<vmem>> -> memref<160x128xf32, #tpu.memory_space<vmem>>
      tpu.enqueue_dma source(%dma_start3A_70 : memref<160x128xf32, #tpu.memory_space<vmem>>) target(%dma_start3A_67 : memref<160x128xf32, #tpu.memory_space<hbm>>) target_semaphore(%run_scoped3A : memref<!tpu.dma_semaphore, #tpu.memory_space<semaphore_mem>>)
      %dma_wait3A = arith.constant 0 : i32
      %dma_wait3A_71 = arith.constant 0 : i32
      %dma_wait3A_72 = tpu.memref_slice %arg10[%dma_wait3A, %dma_wait3A_71] : memref<160x128xf32, #tpu.memory_space<vmem>> -> memref<160x128xf32, #tpu.memory_space<vmem>>
      %dma_wait3A_73 = arith.constant 0 : i32
      %dma_wait3A_74 = tpu.memref_slice %arg5[%arg0, %add3A_59, %dma_wait3A_73] : memref<2x5120x128xf32, #tpu.memory_space<hbm>> -> memref<1x160x128xf32, #tpu.memory_space<hbm>>
      %dma_wait3A_75 = tpu.memref_squeeze %dma_wait3A_74 : memref<1x160x128xf32, #tpu.memory_space<hbm>> -> memref<160x128xf32, #tpu.memory_space<hbm>>
      %dma_wait3A_76 = arith.constant 0 : i32
      %dma_wait3A_77 = tpu.memref_slice %arg5[%arg0, %add3A_59, %dma_wait3A_76] : memref<2x5120x128xf32, #tpu.memory_space<hbm>> -> memref<1x160x128xf32, #tpu.memory_space<hbm>>
      %dma_wait3A_78 = tpu.memref_squeeze %dma_wait3A_77 : memref<1x160x128xf32, #tpu.memory_space<hbm>> -> memref<160x128xf32, #tpu.memory_space<hbm>>
      %dma_wait3A_79 = arith.constant 0 : i32
      %dma_wait3A_80 = arith.constant 0 : i32
      %dma_wait3A_81 = tpu.memref_slice %arg10[%dma_wait3A_79, %dma_wait3A_80] : memref<160x128xf32, #tpu.memory_space<vmem>> -> memref<160x128xf32, #tpu.memory_space<vmem>>
      tpu.wait_dma2 semaphore(%run_scoped3A : memref<!tpu.dma_semaphore, #tpu.memory_space<semaphore_mem>>) src(%dma_wait3A_81 : memref<160x128xf32, #tpu.memory_space<vmem>>) dst(%dma_wait3A_78 : memref<160x128xf32, #tpu.memory_space<hbm>>)
      tpu.yield
    }) : () -> ()
    return
  }
}

module attributes {stable_mosaic.version = 14 : i64} {
  func.func @_tc_body(%arg0: i32, %arg1: memref<640x128xf32, #tpu.memory_space<vmem>>, %arg2: memref<1x640x128xf32, #tpu.memory_space<vmem>>, %arg3: memref<256x128xf32, #tpu.memory_space<vmem>>, %arg4: memref<1x128xf32, #tpu.memory_space<vmem>>, %arg5: memref<640x128xf32, #tpu.memory_space<vmem>>) attributes {dimension_semantics = [#tpu.dimension_semantics<arbitrary>], iteration_bounds = array<i64: 16>, scalar_prefetch = 0 : i64, scratch_operands = 0 : i64, tpu.core_type = #tpu.core_type<tc>, window_params = [{transform_indices = @transform_0, window_bounds = array<i64: 640, 128>}, {transform_indices = @transform_1, window_bounds = array<i64: 1, 640, 128>}, {pipeline_mode = #tpu.pipeline_mode<synchronous>, transform_indices = @transform_2, window_bounds = array<i64: 256, 128>}, {pipeline_mode = #tpu.pipeline_mode<synchronous>, transform_indices = @transform_3, window_bounds = array<i64: 1, 128>}, {transform_indices = @transform_4, window_bounds = array<i64: 640, 128>}]} {
    %get3A = arith.constant 0 : index
    %get3A_0 = arith.constant 0 : index
    %get3A_1 = vector.load %arg1[%get3A, %get3A_0] : memref<640x128xf32, #tpu.memory_space<vmem>>, vector<640x128xf32>
    %get3A_2 = arith.constant 0 : index
    %get3A_3 = arith.constant 0 : index
    %get3A_4 = vector.load %arg3[%get3A_2, %get3A_3] : memref<256x128xf32, #tpu.memory_space<vmem>>, vector<128x128xf32>
    %dot_general3A = arith.constant dense<0.000000e+00> : vector<640x128xf32>
    %dot_general3A_5 = tpu.matmul %get3A_1, %get3A_4, %dot_general3A {dimension_numbers = #tpu.dot_dimension_numbers<[1], [0], [0], [1], [0, 0, 1, 1], [], []>, transpose_lhs_hint = false} : vector<640x128xf32>, vector<128x128xf32>, vector<640x128xf32> -> vector<640x128xf32>
    %get3A_6 = arith.constant 0 : index
    %get3A_7 = arith.constant 0 : index
    %get3A_8 = arith.constant 0 : index
    %get3A_9 = vector.load %arg2[%get3A_6, %get3A_7, %get3A_8] : memref<1x640x128xf32, #tpu.memory_space<vmem>>, vector<1x640x128xf32>
    %get3A_10 = vector.shape_cast %get3A_9 : vector<1x640x128xf32> to vector<640x128xf32>
    %get3A_11 = arith.constant 128 : index
    %get3A_12 = arith.constant 0 : index
    %get3A_13 = vector.load %arg3[%get3A_11, %get3A_12] : memref<256x128xf32, #tpu.memory_space<vmem>>, vector<128x128xf32>
    %dot_general3A_14 = arith.constant dense<0.000000e+00> : vector<640x128xf32>
    %dot_general3A_15 = tpu.matmul %get3A_10, %get3A_13, %dot_general3A_14 {dimension_numbers = #tpu.dot_dimension_numbers<[1], [0], [0], [1], [0, 0, 1, 1], [], []>, transpose_lhs_hint = false} : vector<640x128xf32>, vector<128x128xf32>, vector<640x128xf32> -> vector<640x128xf32>
    %add3A = arith.addf %dot_general3A_5, %dot_general3A_15 : vector<640x128xf32>
    %get3A_16 = arith.constant 0 : index
    %get3A_17 = arith.constant 0 : index
    %get3A_18 = vector.load %arg4[%get3A_16, %get3A_17] : memref<1x128xf32, #tpu.memory_space<vmem>>, vector<1x128xf32>
    %add3A_19 = vector.broadcast %get3A_18 : vector<1x128xf32> to vector<640x128xf32>
    %add3A_20 = arith.addf %add3A, %add3A_19 : vector<640x128xf32>
    %max3A = arith.constant 0.000000e+00 : f32
    %max3A_21 = vector.broadcast %max3A : f32 to vector<640x128xf32>
    %max3A_22 = arith.maximumf %add3A_20, %max3A_21 : vector<640x128xf32>
    %swap3A = arith.constant 0 : index
    %swap3A_23 = arith.constant 0 : index
    %swap3A_24 = vector.load %arg5[%swap3A, %swap3A_23] : memref<640x128xf32, #tpu.memory_space<vmem>>, vector<640x128xf32>
    tpu.vector_store %arg5[%swap3A, %swap3A_23], %max3A_22 {strides = array<i32>} : memref<640x128xf32, #tpu.memory_space<vmem>>, vector<640x128xf32>,
    return
  }
  func.func @transform_0(%arg0: i32) -> (i32, i32) {
    %c0_i32 = arith.constant 0 : i32
    %c0_i32_0 = arith.constant 0 : i32
    return %arg0, %c0_i32 : i32, i32
  }
  func.func @transform_1(%arg0: i32) -> (i32, i32, i32) {
    %jit3A = arith.constant 8 : i32
    %div3A = arith.divsi %arg0, %jit3A : i32
    %sign3A = arith.constant 0 : i32
    %sign3A_0 = arith.cmpi sgt, %arg0, %sign3A : i32
    %sign3A_1 = arith.extui %sign3A_0 : i1 to i32
    %sign3A_2 = arith.constant 0 : i32
    %sign3A_3 = arith.cmpi slt, %arg0, %sign3A_2 : i32
    %sign3A_4 = arith.extui %sign3A_3 : i1 to i32
    %sign3A_5 = arith.subi %sign3A_1, %sign3A_4 : i32
    %sign3A_6 = arith.constant 0 : i32
    %sign3A_7 = arith.cmpi sgt, %jit3A, %sign3A_6 : i32
    %sign3A_8 = arith.extui %sign3A_7 : i1 to i32
    %sign3A_9 = arith.constant 0 : i32
    %sign3A_10 = arith.cmpi slt, %jit3A, %sign3A_9 : i32
    %sign3A_11 = arith.extui %sign3A_10 : i1 to i32
    %sign3A_12 = arith.subi %sign3A_8, %sign3A_11 : i32
    %ne3A = arith.cmpi ne, %sign3A_5, %sign3A_12 : i32
    %rem3A = arith.remsi %arg0, %jit3A : i32
    %ne3A_13 = arith.constant 0 : i32
    %ne3A_14 = arith.cmpi ne, %rem3A, %ne3A_13 : i32
    %and3A = arith.andi %ne3A, %ne3A_14 : i1
    %sub3A = arith.constant 1 : i32
    %sub3A_15 = arith.subi %div3A, %sub3A : i32
    %select_n3A = arith.select %and3A, %sub3A_15, %div3A : i32
    %jit3A_16 = arith.constant 8 : i32
    %eq3A = arith.constant 0 : i32
    %eq3A_17 = arith.cmpi eq, %jit3A_16, %eq3A : i32
    %jit3A_18 = arith.constant 1 : i32
    %select_n3A_19 = arith.select %eq3A_17, %jit3A_18, %jit3A_16 : i32
    %rem3A_20 = arith.remsi %arg0, %select_n3A_19 : i32
    %ne3A_21 = arith.constant 0 : i32
    %ne3A_22 = arith.cmpi ne, %rem3A_20, %ne3A_21 : i32
    %lt3A = arith.constant 0 : i32
    %lt3A_23 = arith.cmpi slt, %rem3A_20, %lt3A : i32
    %lt3A_24 = arith.constant 0 : i32
    %lt3A_25 = arith.cmpi slt, %select_n3A_19, %lt3A_24 : i32
    %ne3A_26 = arith.xori %lt3A_23, %lt3A_25 : i1
    %and3A_27 = arith.andi %ne3A_26, %ne3A_22 : i1
    %add3A = arith.addi %rem3A_20, %select_n3A_19 : i32
    %select_n3A_28 = arith.select %and3A_27, %add3A, %rem3A_20 : i32
    %c0_i32 = arith.constant 0 : i32
    %c0_i32_29 = arith.constant 0 : i32
    return %select_n3A, %select_n3A_28, %c0_i32 : i32, i32, i32
  }
  func.func @transform_2(%arg0: i32) -> (i32, i32) {
    %c0_i32 = arith.constant 0 : i32
    %c0_i32_0 = arith.constant 0 : i32
    %c0_i32_1 = arith.constant 0 : i32
    return %c0_i32, %c0_i32_0 : i32, i32
  }
  func.func @transform_3(%arg0: i32) -> (i32, i32) {
    %c0_i32 = arith.constant 0 : i32
    %c0_i32_0 = arith.constant 0 : i32
    %c0_i32_1 = arith.constant 0 : i32
    return %c0_i32, %c0_i32_0 : i32, i32
  }
  func.func @transform_4(%arg0: i32) -> (i32, i32) {
    %c0_i32 = arith.constant 0 : i32
    %c0_i32_0 = arith.constant 0 : i32
    return %arg0, %c0_i32 : i32, i32
  }
}

</mosaic_0001>

<sc_bundles>
// kernel: kernel.4.cloned.1.call-start
scs
__scs_entry_jumppad:
0x0: {  	(pc) =	sbr.rel $0x88, $3  }
0x1: {  	(tag) =	ssettag $0x0;
	lr =	simm.s32 $0x1  }
0x2: {  	[smem:$0x3F9D] =	sst lr;
	_ =	strace $0xD0000000  }
0x3: {  	_ = 	snop  }
0x4: {  	_ = 	snop  }
0x5: {  	_ = 	snop  }
0x6: {  	_ = 	snop  }
0x7: {  	_ = 	snop  }
__scs_overlays_trampoline_lowered:
0x8: {  	[smem:$0x3FAC] =	sst s0  }
0x9: {  	[smem:$0x3FAD] =	sst s1  }
0xa: {  	[smem:$0x3FAE] =	sst s2  }
0xb: {  	[smem:$0x3FAF] =	sst s3  }
0xc: {  	[smem:$0x3FB0] =	sst s4  }
0xd: {  	[smem:$0x3FB1] =	sst s5  }
0xe: {  	[smem:$0x3FB2] =	sst s6  }
0xf: {  	[smem:$0x3FB3] =	sst s7  }
0x10: {  	[smem:$0x3FB4] =	sst s8  }
0x11: {  	[smem:$0x3FB5] =	sst s9;
	s0 =	simm.s32 @!p0 $0x0  }
0x12: {  	s1 =	sld [smem:$0x3F9B];
	s0 =	simm.s32 @p0 $0x1  }
0x13: {  	[smem:$0x3FB6] =	sst s0;
	s0 =	simm.s32 @!p1 $0x0  }
0x14: {  	s2 =	sld [smem:$0x3F9A];
	s0 =	simm.s32 @p1 $0x1  }
0x15: {  	[smem:$0x3FB7] =	sst s0;
	s0 =	simm.s32 @!p2 $0x0  }
0x16: {  	s3 =	sld [smem:$0x3FDB];
	s0 =	simm.s32 @p2 $0x1  }
0x17: {  	s4 =	simm.s32 $0x1BF5;
	[smem:$0x3FB9] =	sst s0  }
0x18: {  	s0 =	sld [smem:$0x3F9C];
	_ =	swait.ge [sflag:s4], $0x0  }
0x19: {  	s7 =	sld [smem:$0x3F9D]  }
0x1a: {  	s8 =	sadd.s32 $0xFFFFE003, lr  }
0x1b: {  	s9 =	sadd.s32 $0xFFFFFEF7, lr;
	s5 =	simm.s32 $0xFFFFFFFF;
	p2 =	slt.u32 s8, $0xFFFFF086  }
0x1c: {  	p1 =	slt.u32 s9, $0xF7A;
	s5 =	simm.s32 @!p2 $0x0  }
0x1d: {  	s5 =	simm.s32 @p1 $0x1;
	p0 =	seq.s32 s7, s2  }
0x1e: {  	s7 =	smul.u32 @!p0 $0xF7A, s2;
	p2 =	seq.s32 @!p0 s5, $0x0  }
0x1f: {  	s9 =	smul.u32 $0xF7A, s1;
	s8 =	simm.s32 @!p0 $0x1BF5;
	p2 =	por !p2, p0  }
0x20: {  	[sflag:s8] =	ssyncset.s32 @!p0 $0xFFFFF086;
	s6 =	sadd.s32 @!p0 s3, s7;
	s7 =	simm.s32 @!p0 $0x108  }
0x21: {  	s3 =	sadd.s32 s3, s9;
	s6 =	sadd.s32 @!p0 $0x88, s6;
	s7 =	simm.s32 @p2 $0x1082  }
0x22: {  	[simem:s7], [sflag:s8] =	dma.local @!p0 [hbm:s6], $0xF7A  }
0x23: {  	s9 =	sor.u32 $0xD0000000, s2;
	s6 =	simm.s32 $0x108;
	_ =	swait.ge @!p0 [sflag:s8], $0x0  }
0x24: {  	s3 =	sadd.s32 $0x88, s3;
	s6 =	simm.s32 @!p1 $0x1082;
	[sflag:s4] =	ssyncset.s32 $0xFFFFF086  }
0x25: {  	[simem:s6], [sflag:s4] =	dma.local [hbm:s3], $0xF7A  }
0x26: {  	[smem:$0x3F9D] =	sst s1;
	(tag) =	ssettag s2;
	_ =	strace s9  }
0x27: {  	s1 =	sld [smem:$0x3FAD]  }
0x28: {  	s2 =	sld [smem:$0x3FAE]  }
0x29: {  	s4 =	sld [smem:$0x3FB0]  }
0x2a: {  	p0 =	seq.s32 s5, $0x0;
	s5 =	sld [smem:$0x3FB1]  }
0x2b: {  	s6 =	sld [smem:$0x3FB2]  }
0x2c: {  	s7 =	sld [smem:$0x3FB3]  }
0x2d: {  	s3 =	simm.s32 $0x108;
	s8 =	sld [smem:$0x3FB4]  }
0x2e: {  	s3 =	simm.s32 @!p0 $0x1082;
	s9 =	sld [smem:$0x3FB5]  }
0x2f: {  	lr =	sadd.s32 s0, s3;
	s0 =	sld [smem:$0x3FAC]  }
0x30: {  	s3 =	sld [smem:$0x3FAF]  }
0x31: {  	[smem:$0x3FB8] =	sst s10  }
0x32: {  	s10 =	sld [smem:$0x3FB6];
	_ =	sdelay $0x3  }
0x33: {  	p0 =	seq.s32 s10, $0x1;
	s10 =	sld [smem:$0x3FB8];
	_ =	sdelay $0x3  }
0x34: {  	[smem:$0x3FB8] =	sst s10  }
0x35: {  	s10 =	sld [smem:$0x3FB7];
	_ =	sdelay $0x3  }
0x36: {  	p1 =	seq.s32 s10, $0x1;
	s10 =	sld [smem:$0x3FB8];
	_ =	sdelay $0x3  }
0x37: {  	[smem:$0x3FB8] =	sst s10  }
0x38: {  	s10 =	sld [smem:$0x3FB9]  }
0x39: {  	_ = 	snop;
	(pc) =	sbr.ind lr, $3  }
0x3a: {  	_ = 	snop  }
0x3b: {  	_ = 	snop  }
0x3c: {  	p2 =	seq.s32 s10, $0x1;
	s10 =	sld [smem:$0x3FB8]  }
0x3d: {  	_ =	shalt  }
0x3e: {  	_ =	shalt  }
0x3f: {  	_ =	shalt  }
0x40: {  	_ =	shalt  }
0x41: {  	_ =	shalt  }
0x42: {  	_ =	shalt  }
0x43: {  	_ =	shalt  }
0x44: {  	_ =	shalt  }
0x45: {  	_ =	shalt  }
0x46: {  	_ =	shalt  }
0x47: {  	_ =	shalt  }
0x48: {  	_ =	shalt  }
0x49: {  	_ =	shalt  }
0x4a: {  	_ =	shalt  }
0x4b: {  	_ =	shalt  }
0x4c: {  	_ =	shalt  }
0x4d: {  	_ =	shalt  }
0x4e: {  	_ =	shalt  }
0x4f: {  	_ =	shalt  }
0x50: {  	_ =	shalt  }
0x51: {  	_ =	shalt  }
0x52: {  	_ =	shalt  }
0x53: {  	_ =	shalt  }
0x54: {  	_ =	shalt  }
0x55: {  	_ =	shalt  }
0x56: {  	_ =	shalt  }
0x57: {  	_ =	shalt  }
0x58: {  	_ =	shalt  }
0x59: {  	_ =	shalt  }
0x5a: {  	_ =	shalt  }
0x5b: {  	_ =	shalt  }
0x5c: {  	_ =	shalt  }
0x5d: {  	_ =	shalt  }
0x5e: {  	_ =	shalt  }
0x5f: {  	_ =	shalt  }
0x60: {  	_ =	shalt  }
0x61: {  	_ =	shalt  }
0x62: {  	_ =	shalt  }
0x63: {  	_ =	shalt  }
0x64: {  	_ =	shalt  }
0x65: {  	_ =	shalt  }
0x66: {  	_ =	shalt  }
0x67: {  	_ =	shalt  }
0x68: {  	_ =	shalt  }
0x69: {  	_ =	shalt  }
0x6a: {  	_ =	shalt  }
0x6b: {  	_ =	shalt  }
0x6c: {  	_ =	shalt  }
0x6d: {  	_ =	shalt  }
0x6e: {  	_ =	shalt  }
0x6f: {  	_ =	shalt  }
0x70: {  	_ =	shalt  }
0x71: {  	_ =	shalt  }
0x72: {  	_ =	shalt  }
0x73: {  	_ =	shalt  }
0x74: {  	_ =	shalt  }
0x75: {  	_ =	shalt  }
0x76: {  	_ =	shalt  }
0x77: {  	_ =	shalt  }
0x78: {  	_ =	shalt  }
0x79: {  	_ =	shalt  }
0x7a: {  	_ =	shalt  }
0x7b: {  	_ =	shalt  }
0x7c: {  	_ =	shalt  }
0x7d: {  	_ =	shalt  }
0x7e: {  	_ =	shalt  }
0x7f: {  	_ =	shalt  }
0x80: {  	_ =	shalt  }
0x81: {  	_ =	shalt  }
0x82: {  	_ =	shalt  }
0x83: {  	_ =	shalt  }
0x84: {  	_ =	shalt  }
0x85: {  	_ =	shalt  }
0x86: {  	_ =	shalt  }
0x87: {  	_ =	shalt  }
.Lfunc_end0:
.L_simem_size_0:
called_computation_lowered:
.L_overlay_start_0:
0x88: {  	s2 =	sld [smem:$0x3FD9]  }
0x89: {  	s3 =	sld [smem:$0x3FFE];
	_ =	sdelay $0x1  }
0x8a: {  	s1 =	srdreg.scid  }
0x8b: {  	s0 =	sand.u32 $0x1, s1  }
0x8c: {  	s17 =	sshll.u32 s0, $0xA;
	s2 =	sadd.s32 s3, s2  }
0x8d: {  	s2 =	sadd.s32 s2, s17  }
0x8e: {  	[smem:$0x3FC4] =	sst s2  }
0x8f: {  	_ = 	snop  }
0x90: {  	s2 =	sld [smem:$0x3FD0];
	(tm) =	ssettm $0x1  }
0x91: {  	s18 =	sld [smem:$0x3FFB];
	_ =	sdelay $0x3  }
0x92: {  	_ =	strace s18  }
0x93: {  	s3 =	sld [smem:$0x3FFC];
	_ =	sdelay $0x3  }
0x94: {  	_ =	strace s3  }
0x95: {  	s3 =	sld [smem:$0x3FFD];
	_ =	sdelay $0x3  }
0x96: {  	_ =	strace s3  }
0x97: {  	_ =	strace $0x8FFFFFFF  }
0x98: {  	s19 =	sld [smem:$0x3FDB];
	_ =	sdelay $0x1  }
0x99: {  	s4 =	simm.s32 $_scs_section_size  }
0x9a: {  	s5 =	simm.s32 $_size__tile_overlayer_lowered;
	s6 =	simm.s32 $_tile_overlayer_lowered  }
0x9b: {  	s22 =	simm.s32 $0x1BFF;
	s21 =	sshll.u32 s6, $0x1;
	s3 =	sadd.s32 s4, s19  }
0x9c: {  	s7 =	simm.s32 $0x0;
	s20 =	sshll.u32 s5, $0x1;
	s5 =	sadd.s32 s21, s3  }
0x9d: {  	[timem:s7], [sflag:s22] =	dma.local [hbm:s5], s20  }
0x9e: {  	_ =	swait.ge [sflag:s22], s20  }
0x9f: {  	s4 =	ssub.s32 $0x0, s20;
	[sflag:s22] =	ssyncset.done $0x0  }
0xa0: {  	[sflag:s22] =	ssyncadd.s32 s4;
	_ =	sdelay $0x1  }
0xa1: {  	s23 =	simm.s32 $0x1B8B  }
0xa2: {  	_ =	swait.ge [sflag:s23], $0x1  }
0xa3: {  	[sflag:s23] =	ssyncset.done $0x0  }
0xa4: {  	s25 =	simm.s32 $0x1B8E;
	s24 =	sld [smem:$0x3FFE];
	[sflag:s23] =	ssyncadd.s32 $0xFFFFFFFF  }
0xa5: {  	s26 =	simm.s32 $execute0_lowered;
	[smem:$0x3FD2] =	sst s25  }
0xa6: {  	s5 =	sshll.u32 s26, $0x1;
	_ =	strace $0x80000046;
	[dreg:$0x1] =	wrdreg $0xFFFFFFFF  }
0xa7: {  	s28 =	simm.s32 $_size_execute0_lowered;
	s3 =	sadd.s32 s3, s5;
	[dreg:$0x0] =	wrdreg $0x0  }
0xa8: {  	s5 =	sshll.u32 s28, $0x1;
	[dreg:$0x2] =	wrdreg s3  }
0xa9: {  	[dreg:$0x3] =	wrdreg s5  }
0xaa: {  	[dreg:$0x4] =	wrdreg $0xC0  }
0xab: {  	_ =	task [dreg:s7], $0x5FFFF  }
0xac: {  	[dreg:$0x1] =	wrdreg $0xFFFFFFFF  }
0xad: {  	[dreg:$0x0] =	wrdreg $0x60  }
0xae: {  	[dreg:$0x2] =	wrdreg s24  }
0xaf: {  	[dreg:$0x3] =	wrdreg s2  }
0xb0: {  	[dreg:$0x4] =	wrdreg $0x158D00  }
0xb1: {  	[dreg:$0x5] =	wrdreg $0x1F9100  }
0xb2: {  	[dreg:$0x6] =	wrdreg $0x9  }
0xb3: {  	_ =	task.clear_ibuf [dreg:s7], $0x7FFFF;
	_ =	strace $0x90000046  }
0xb4: {  	s29 =	simm.s32 $0x9;
	_ =	strace $0x80000048  }
0xb5: {  	_ =	swait.ge [sflag:s29], $0x1  }
0xb6: {  	[sflag:s29] =	ssyncadd.s32 $0xFFFFFFFF  }
0xb7: {  	_ =	strace $0x90000048  }
0xb8: {  	_ =	sfence  }
0xb9: {  	s30 =	sld [smem:$0x0];
	_ =	sdelay $0x2  }
0xba: {  	s31 =	sshll.u32 s1, $0xD;
	s1 =	sshrl.u32 s1, $0x2  }
0xbb: {  	s3 =	sand.u32 $0x4000, s31;
	s1 =	sadd.s32 s1, s30  }
0xbc: {  	s0 =	sor.u32 s3, s0;
	s1 =	sshll.u32 s1, $0x11  }
0xbd: {  	s0 =	sor.u32 s1, s0  }
0xbe: {  	s0 =	sadd.s32 $0x8F2B, s0  }
0xbf: {  	[sflag:s0] =	ssyncadd.remote.s32 $0x1  }
0xc0: {  	_ =	sfence.sel $0xFFFF  }
0xc1: {  	[dreg:$0x0] =	wrdreg $0xFFFFFFFF;
	(pc) =	sbr.abs _section_cstart, $3  }
0xc2: {  	[dreg:$0x1] =	wrdreg $0xFFFFFFFF  }
0xc3: {  	_ =	task.clear_ibuf [dreg:s7], $0x2FFFF;
	_ =	strace $0x9FFFFFFF  }
0xc4: {  	(tm) =	ssettm $0x7FFFFFFF  }
0xc5: {  	_ =	shalt  }
tec
execute0_lowered:
.L_overlay_start_1:
0x0: {  	(tag) =	ssettag $0x1  }
0x1: {  	s5 =	rddreg [dreg:$0x0]  }
0x2: {  	s6 =	rddreg [dreg:$0x1]  }
0x3: {  	s1 =	rddreg [dreg:$0x2]  }
0x4: {  	s2 =	rddreg [dreg:$0x3]  }
0x5: {  	s0 =	rddreg [dreg:$0x4];
	s3 =	simm.s32 $0x0;
	s17 =	stileid.u32  }
0x6: {  	s8 =	srdreg.scid;
	s16 =	simm.s32 $0x5000;
	s18 =	simm.s32 $0x80  }
0x7: {  	s19 =	simm.s32 $0xA080;
	s21 =	simm.s32 $0x1;
	s22 =	simm.s32 $0xA000  }
0x8: {  	s23 =	simm.s32 $0x50;
	s24 =	simm.s32 $0x15880;
	s25 =	simm.s32 $0x0  }
0x9: {  	[smem:$0x7FF] =	sst s3;
	s7 =	smul.u32 $0xA00, s17;
	s4 =	sadd.s32 $0xAE00, s5  }
0xa: {  	s8 =	sand.u32 $0x1, s8;
	s12 =	sadd.s32 $0x32E00, s5;
	s11 =	smul.u32 $0xA000, s17  }
0xb: {  	s14 =	smul.u32 $0x140, s17;
	p0 =	sne.s32 s17, $0x0;
	s17 =	simm.s32 $0xE080  }
0xc: {  	_ =	strace $0x80000047;
	s10 =	ssub.s32 $0x2, s8;
	s20 =	smul.u32 $0x1400, s8  }
0xd: {  	s31 =	smul.u32 $0xA0000, s8;
	s9 =	sadd.s32 s7, s5;
	s30 =	sshrl.u32 s10, $0x1  }
0xe: {  	s6 =	sadd.s32 s6, s7;
	s15 =	sadd.s32 $0x5000, s11;
	s7 =	sadd.s32 s11, s1  }
0xf: {  	s13 =	ssub.s32 s10, s30;
	s5 =	sadd.s32 $0xE00, s9;
	s8 =	sadd.s32 s15, s1  }
0x10: {  	s11 =	sadd.s32 s11, s31;
	s9 =	sadd.s32 $0xA0000, s1;
	s15 =	sadd.s32 s31, s15  }
0x11: {  	v0 =	vlaneseq.u32;
	s11 =	sshrl.u32 s11, $0x3;
	s15 =	sshrl.u32 s15, $0x3;
	s13 =	smax.u32 s13, $0x1  }
0x12: {  	v2 =	vimm.f32 $0.0e+00;
	v3 =	vor.u32 $0x10, v0;
	v4 =	vor.u32 $0x20, v0;
	s10 =	sadd.s32 s12, s11;
	s11 =	sadd.s32 s14, s20;
	s12 =	sadd.s32 s12, s15  }
0x13: {  	v5 =	vor.u32 $0x30, v0;
	v6 =	vor.u32 $0x40, v0;
	v1 =	vmov s20;
	s15 =	simm.s32 $0x2;
	s20 =	simm.s32 $0x13080;
	s14 =	sadd.s32 $0xA0, s11  }
.LBB2_1:
0x14: {  	[tilespmem:s3], [sflag:$0x2] =	stream.linear.gather [hbm4b:s5+s3], $0x5000, $0x38;
	[tilespmem:$0x1FB90] =	vst v63  }
0x15: {  	_ =	swait.ge [sflag:s15], $0x5000  }
0x16: {  	[sflag:s15] =	ssyncset.done $0x0  }
0x17: {  	[sflag:s15] =	ssyncadd.s32 $0xFFFFB000  }
0x18: {  	[tilespmem:s16], [sflag:$0x2] =	stream.linear.gather [hbm4b:s6+s3], $0x5000, $0x38;
	[tilespmem:$0x1FB90] =	vst v63  }
0x19: {  	_ =	swait.ge [sflag:s15], $0x5000  }
0x1a: {  	[sflag:s15] =	ssyncset.done $0x0  }
0x1b: {  	s26 =	simm.s32 $0x0;
	s28 =	simm.s32 $0x200;
	[sflag:s15] =	ssyncadd.s32 $0xFFFFB000  }
.LBB2_2:
0x1c: {  	p1 =	sne.s32 s28, $0x9E00;
	[tilespmem:s26+$0x130F0] =	vst v2  }
0x1d: {  	[tilespmem:s26+$0x13080] =	vst v2  }
0x1e: {  	[tilespmem:s26+$0x13090] =	vst v2  }
.Ltmp0:
0x1f: {  	[tilespmem:s26+$0x130A0] =	vst v2;
	(pc) =	sbr.rel @p1 .LBB2_2-.Ltmp0, $4  }
0x20: {  	[tilespmem:s26+$0x130B0] =	vst v2  }
0x21: {  	[tilespmem:s26+$0x130C0] =	vst v2  }
0x22: {  	[tilespmem:s26+$0x130D0] =	vst v2  }
0x23: {  	[tilespmem:s26+$0x130E0] =	vst v2;
	s26 =	sshra.s32 s28, $0x2;
	s28 =	sadd.s32 $0x200, s28  }
0x24: {  	[tilespmem:s26+$0x130F0] =	vst v2  }
0x25: {  	[tilespmem:s26+$0x13080] =	vst v2  }
0x26: {  	[tilespmem:s26+$0x13090] =	vst v2  }
0x27: {  	[tilespmem:s26+$0x130A0] =	vst v2  }
0x28: {  	[tilespmem:s26+$0x130B0] =	vst v2  }
0x29: {  	[tilespmem:s26+$0x130C0] =	vst v2  }
0x2a: {  	[tilespmem:s26+$0x130D0] =	vst v2  }
0x2b: {  	[tilespmem:s26+$0x130E0] =	vst v2  }
0x2c: {  	[tilespmem:$0x15880] =	vst v0  }
0x2d: {  	[tilespmem:$0x15890] =	vst v3  }
0x2e: {  	[tilespmem:$0x158A0] =	vst v4  }
0x2f: {  	[tilespmem:$0x158B0] =	vst v5  }
0x30: {  	s26 =	simm.s32 $0x0;
	s28 =	simm.s32 $0x200;
	[tilespmem:$0x158C0] =	vst v6  }
.LBB2_4:
0x31: {  	p1 =	sne.s32 s28, $0x13E00;
	[tilespmem:s26+$0xE0F0] =	vst v2  }
0x32: {  	[tilespmem:s26+$0xE080] =	vst v2  }
0x33: {  	[tilespmem:s26+$0xE090] =	vst v2  }
.Ltmp1:
0x34: {  	[tilespmem:s26+$0xE0A0] =	vst v2;
	(pc) =	sbr.rel @p1 .LBB2_4-.Ltmp1, $4  }
0x35: {  	[tilespmem:s26+$0xE0B0] =	vst v2  }
0x36: {  	[tilespmem:s26+$0xE0C0] =	vst v2  }
0x37: {  	[tilespmem:s26+$0xE0D0] =	vst v2  }
0x38: {  	[tilespmem:s26+$0xE0E0] =	vst v2;
	s26 =	sshra.s32 s28, $0x2;
	s28 =	sadd.s32 $0x200, s28  }
0x39: {  	[tilespmem:s26+$0xE0F0] =	vst v2  }
0x3a: {  	[tilespmem:s26+$0xE080] =	vst v2  }
0x3b: {  	[tilespmem:s26+$0xE090] =	vst v2  }
0x3c: {  	[tilespmem:s26+$0xE0A0] =	vst v2  }
0x3d: {  	[tilespmem:s26+$0xE0B0] =	vst v2  }
0x3e: {  	[tilespmem:s26+$0xE0C0] =	vst v2  }
0x3f: {  	[tilespmem:s26+$0xE0D0] =	vst v2  }
0x40: {  	[tilespmem:s26+$0xE0E0] =	vst v2  }
0x41: {  	[spmem:s7] =	stream.linear.scatter [tilespmem:s17], [sflag:$0x2], $0x5000, $0x38;
	[tilespmem:$0x1FB90] =	vst v63  }
0x42: {  	_ =	swait.ge [sflag:s15], $0x5000  }
0x43: {  	[sflag:s15] =	ssyncset.done $0x0  }
0x44: {  	[sflag:s15] =	ssyncadd.s32 $0xFFFFB000  }
0x45: {  	[spmem:s8] =	stream.linear.scatter [tilespmem:s17], [sflag:$0x2], $0x5000, $0x38;
	[tilespmem:$0x1FB90] =	vst v63  }
0x46: {  	_ =	swait.ge [sflag:s15], $0x5000  }
0x47: {  	[sflag:s15] =	ssyncset.done $0x0  }
0x48: {  	s26 =	simm.s32 @!p0 $0xE080;
	s28 =	simm.s32 @!p0 $0x2;
	[sflag:s15] =	ssyncadd.s32 $0xFFFFB000  }
0x49: {  	[spmem:s9] =	stream.linear.scatter @!p0 [tilespmem:s26], [sflag:$0x2], $0x400, $0x38;
	[tilespmem:$0x1FB90] =	vst v63  }
0x4a: {  	_ =	swait.ge @!p0 [sflag:s28], $0x400  }
0x4b: {  	[sflag:s28] =	ssyncset.done @!p0 $0x0  }
0x4c: {  	[sflag:s28] =	ssyncadd.s32 @!p0 $0xFFFFFC00  }
0x4d: {  	[spmem:s2] =	stream.linear.scatter @!p0 [tilespmem:s26], [sflag:$0x2], $0x2800, $0x38;
	[tilespmem:$0x1FB90] =	vst v63  }
0x4e: {  	_ =	swait.ge @!p0 [sflag:s28], $0x2800  }
0x4f: {  	[sflag:s28] =	ssyncset.done @!p0 $0x0  }
0x50: {  	[sflag:s28] =	ssyncadd.s32 @!p0 $0xFFFFD800  }
0x51: {  	s26 =	simm.s32 $0x0;
	[bflag:$0x0] =	sbarrier.arrive $0xFFFF  }
.LBB2_6:
0x52: {  	s28 =	sshra.s32 s26, $0x2  }
0x53: {  	[tilespmem:s19], [sflag:$0x1] =	stream.indirect.gather [hbm4b:s4+s18], $0x80, s28, s18, $0xb8;
	[tilespmem:$0x1FB90] =	vst v63  }
0x54: {  	v7 =	vld [tilespmem:s28+$0x5000];
	_ =	sdelay $0x4  }
0x55: {  	(xrf1) =	vunique.msk.u32 $0xffff, v7;
	_ =	sdelay $0xd  }
0x56: {  	_, v8, vm0 =	vpop (xrf1);
	_ =	sdelay $0x3  }
0x57: {  	v8 =	vcvt.s32.f32 v8  }
0x58: {  	v9 =	vsub.s32 v7, v1  }
0x59: {  	[tilespmem:v7+s20+$0x0] =	vst.idx.add.f32.msk vm0, v8;
	v7 =	vmin.u32 v9, $0x1400  }
0x5a: {  	[tilespmem:$0xA000] =	vst v7  }
0x5b: {  	v7 =	vld [tilespmem:s28+$0x5010];
	_ =	sdelay $0x4  }
0x5c: {  	(xrf1) =	vunique.msk.u32 $0xffff, v7;
	_ =	sdelay $0xd  }
0x5d: {  	_, v8, vm0 =	vpop (xrf1);
	_ =	sdelay $0x3  }
0x5e: {  	v8 =	vcvt.s32.f32 v8  }
0x5f: {  	v57 =	vsub.s32 v7, v1  }
0x60: {  	[tilespmem:v7+s20+$0x0] =	vst.idx.add.f32.msk vm0, v8;
	v7 =	vmin.u32 v57, $0x1400  }
0x61: {  	[tilespmem:$0xA010] =	vst v7  }
0x62: {  	v7 =	vld [tilespmem:s28+$0x5020];
	_ =	sdelay $0x4  }
0x63: {  	(xrf1) =	vunique.msk.u32 $0xffff, v7;
	_ =	sdelay $0xd  }
0x64: {  	_, v8, vm0 =	vpop (xrf1);
	_ =	sdelay $0x3  }
0x65: {  	v8 =	vcvt.s32.f32 v8  }
0x66: {  	v58 =	vsub.s32 v7, v1  }
0x67: {  	[tilespmem:v7+s20+$0x0] =	vst.idx.add.f32.msk vm0, v8;
	v7 =	vmin.u32 v58, $0x1400  }
0x68: {  	[tilespmem:$0xA020] =	vst v7  }
0x69: {  	v7 =	vld [tilespmem:s28+$0x5030];
	_ =	sdelay $0x4  }
0x6a: {  	(xrf1) =	vunique.msk.u32 $0xffff, v7;
	_ =	sdelay $0xd  }
0x6b: {  	_, v8, vm0 =	vpop (xrf1);
	_ =	sdelay $0x3  }
0x6c: {  	v8 =	vcvt.s32.f32 v8  }
0x6d: {  	v59 =	vsub.s32 v7, v1  }
0x6e: {  	[tilespmem:v7+s20+$0x0] =	vst.idx.add.f32.msk vm0, v8;
	v7 =	vmin.u32 v59, $0x1400  }
0x6f: {  	[tilespmem:$0xA030] =	vst v7  }
0x70: {  	v7 =	vld [tilespmem:s28+$0x5040];
	_ =	sdelay $0x4  }
0x71: {  	(xrf1) =	vunique.msk.u32 $0xffff, v7;
	_ =	sdelay $0xd  }
0x72: {  	_, v8, vm0 =	vpop (xrf1);
	_ =	sdelay $0x3  }
0x73: {  	v8 =	vcvt.s32.f32 v8  }
0x74: {  	v60 =	vsub.s32 v7, v1  }
0x75: {  	[tilespmem:v7+s20+$0x0] =	vst.idx.add.f32.msk vm0, v8;
	v7 =	vmin.u32 v60, $0x1400  }
0x76: {  	[tilespmem:$0xA040] =	vst v7  }
0x77: {  	v7 =	vld [tilespmem:s28+$0x5050];
	_ =	sdelay $0x4  }
0x78: {  	(xrf1) =	vunique.msk.u32 $0xffff, v7;
	_ =	sdelay $0xd  }
0x79: {  	_, v8, vm0 =	vpop (xrf1);
	_ =	sdelay $0x3  }
0x7a: {  	v8 =	vcvt.s32.f32 v8  }
0x7b: {  	v61 =	vsub.s32 v7, v1  }
0x7c: {  	[tilespmem:v7+s20+$0x0] =	vst.idx.add.f32.msk vm0, v8;
	v7 =	vmin.u32 v61, $0x1400  }
0x7d: {  	[tilespmem:$0xA050] =	vst v7  }
0x7e: {  	v7 =	vld [tilespmem:s28+$0x5060];
	_ =	sdelay $0x4  }
0x7f: {  	(xrf1) =	vunique.msk.u32 $0xffff, v7;
	_ =	sdelay $0xd  }
0x80: {  	_, v8, vm0 =	vpop (xrf1);
	_ =	sdelay $0x3  }
0x81: {  	v8 =	vcvt.s32.f32 v8  }
0x82: {  	v62 =	vsub.s32 v7, v1  }
0x83: {  	[tilespmem:v7+s20+$0x0] =	vst.idx.add.f32.msk vm0, v8;
	v7 =	vmin.u32 v62, $0x1400  }
0x84: {  	[tilespmem:$0xA060] =	vst v7  }
0x85: {  	v7 =	vld [tilespmem:s28+$0x5070];
	_ =	sdelay $0x4  }
0x86: {  	(xrf1) =	vunique.msk.u32 $0xffff, v7;
	_ =	sdelay $0xd  }
0x87: {  	_, v8, vm0 =	vpop (xrf1);
	_ =	sdelay $0x3  }
0x88: {  	v8 =	vcvt.s32.f32 v8  }
0x89: {  	v63 =	vsub.s32 v7, v1  }
0x8a: {  	[tilespmem:v7+s20+$0x0] =	vst.idx.add.f32.msk vm0, v8;
	v7 =	vmin.u32 v63, $0x1400  }
0x8b: {  	[tilespmem:$0xA070] =	vst v7  }
0x8c: {  	_ =	swait.ge [sflag:s21], $0x4000  }
0x8d: {  	p1 =	sne.s32 s26, $0x13E00;
	[sflag:s21] =	ssyncset.done $0x0  }
.Ltmp2:
0x8e: {  	[sflag:s21] =	ssyncadd.s32 $0xFFFFC000;
	(pc) =	sbr.rel @p1 .LBB2_6-.Ltmp2, $4  }
0x8f: {  	[spmem:s1] =	stream.indirect.scatter.add.f32 [tilespmem:s19], [sflag:$0x2], $0x80, s22, s18, $0xb8;
	[tilespmem:$0x1FB90] =	vst v63  }
0x90: {  	_ =	swait.ge [sflag:s15], $0x4000  }
0x91: {  	[sflag:s15] =	ssyncset.done $0x0  }
0x92: {  	s26 =	sadd.s32 $0x200, s26;
	[sflag:s15] =	ssyncadd.s32 $0xFFFFC000  }
0x93: {  	[spmem:s2] =	stream.indirect.scatter.add.f32 [tilespmem:s20], [sflag:$0x2], $0x80, s24, s23, $0xb8;
	[tilespmem:$0x1FB90] =	vst v63  }
0x94: {  	_ =	swait.ge [sflag:s15], $0x2800  }
0x95: {  	[sflag:s15] =	ssyncset.done $0x0  }
0x96: {  	s26 =	sadd.s32 $0x0, s11;
	[sflag:s15] =	ssyncadd.s32 $0xFFFFD800  }
0x97: {  	v7 =	vmov s26;
	s26 =	sand.u32 $0xFFFFFF80, s26;
	[bflag:$0x0] =	sbarrier.arrive $0xFFFF  }
0x98: {  	v7 =	vand.u32 $0x7F, v7;
	[tilespmem:s20], [sflag:$0x2] =	stream.linear.gather [spmem:s2], $0x2800, $0x38;
	[tilespmem:$0x1FB90] =	vst v63  }
0x99: {  	v7 =	vor.u32 s26, v7;
	_ =	swait.ge [sflag:s15], $0x2800  }
0x9a: {  	v7 =	vbroadcast v7, $0x0;
	[sflag:s15] =	ssyncset.done $0x0  }
0x9b: {  	[sflag:s15] =	ssyncadd.s32 $0xFFFFD800  }
0x9c: {  	[tilespmem:s17], [sflag:$0x2] =	stream.linear.gather [spmem:s7], $0x5000, $0x38;
	[tilespmem:$0x1FB90] =	vst v63  }
0x9d: {  	_ =	swait.ge [sflag:s15], $0x5000  }
0x9e: {  	[sflag:s15] =	ssyncset.done $0x0  }
0x9f: {  	[sflag:s15] =	ssyncadd.s32 $0xFFFFB000  }
0xa0: {  	v7 =	vld.idx.msk [tilespmem:v7+s20+$0x0], $0xffff;
	_ =	sdelay $0x4  }
0xa1: {  	v7 =	vmax.f32 v7, $1.000000000e+00  }
0xa2: {  	s26 =	simm.s32 $0xE0C0;
	(erf) = vrcp.f32 v7  }
0xa3: {  	v9 =	vld [tilespmem:s26+$0xFFFFFFF0]  }
0xa4: {  	v14 =	vld [tilespmem:s26+$0xFFFFFFD0]  }
0xa5: {  	v15 =	vld [tilespmem:s26+$0xFFFFFFC0]  }
0xa6: {  	v8 =	vld [tilespmem:s26+$0x10]  }
0xa7: {  	v13 =	vld [tilespmem:s26+$0xFFFFFFE0]  }
0xa8: {  	v12 =	vld [tilespmem:s26+$0x0]  }
0xa9: {  	v11 =	vld [tilespmem:s26+$0x20]  }
0xaa: {  	v7 =	vld [tilespmem:s26+$0x30]  }
0xab: {  	v10 =	vpop (erf)  }
0xac: {  	s29 =	sadd.s32 $0x1, s11;
	s28 =	simm.s32 $0x2;
	v15 =	vmul.f32 v10, v15;
	v14 =	vmul.f32 v14, v10  }
.LBB2_8:
0xad: {  	p1 =	sne.s32 s28, $0x9F;
	v16 =	vmov s29;
	v13 =	vmul.f32 v13, v10;
	v9 =	vmul.f32 v9, v10  }
0xae: {  	s29 =	sand.u32 $0xFFFFFF80, s29;
	v8 =	vmul.f32 v8, v10;
	v16 =	vand.u32 $0x7F, v16;
	[tilespmem:s26+$0xFFFFFFC0] =	vst v15;
	v12 =	vmul.f32 v12, v10  }
0xaf: {  	v7 =	vmul.f32 v7, v10;
	v15 =	vor.u32 s29, v16;
	[tilespmem:s26+$0xFFFFFFD0] =	vst v14;
	v11 =	vmul.f32 v11, v10  }
0xb0: {  	v10 =	vbroadcast v15, $0x0;
	[tilespmem:s26+$0xFFFFFFE0] =	vst v13  }
0xb1: {  	[tilespmem:s26+$0xFFFFFFF0] =	vst v9  }
0xb2: {  	[tilespmem:s26+$0x0] =	vst v12  }
0xb3: {  	[tilespmem:s26+$0x10] =	vst v8  }
0xb4: {  	[tilespmem:s26+$0x20] =	vst v11  }
0xb5: {  	[tilespmem:s26+$0x30] =	vst v7  }
0xb6: {  	v7 =	vld.idx.msk [tilespmem:v10+s20+$0x0], $0xffff;
	_ =	sdelay $0x5  }
0xb7: {  	v7 =	vmax.f32 v7, $1.000000000e+00  }
0xb8: {  	s26 =	sadd.s32 $0x80, s26;
	(erf) = vrcp.f32 v7  }
0xb9: {  	v9 =	vld [tilespmem:s26+$0xFFFFFFF0]  }
0xba: {  	v7 =	vld [tilespmem:s26+$0x30]  }
0xbb: {  	v8 =	vld [tilespmem:s26+$0x10]  }
0xbc: {  	v14 =	vld [tilespmem:s26+$0xFFFFFFD0]  }
0xbd: {  	v15 =	vld [tilespmem:s26+$0xFFFFFFC0]  }
.Ltmp3:
0xbe: {  	v13 =	vld [tilespmem:s26+$0xFFFFFFE0];
	(pc) =	sbr.rel @p1 .LBB2_8-.Ltmp3, $4  }
0xbf: {  	v12 =	vld [tilespmem:s26+$0x0]  }
0xc0: {  	v11 =	vld [tilespmem:s26+$0x20]  }
0xc1: {  	v10 =	vpop (erf)  }
0xc2: {  	s29 =	sadd.s32 s28, s11;
	s28 =	sadd.s32 $0x1, s28;
	v15 =	vmul.f32 v10, v15;
	v14 =	vmul.f32 v14, v10  }
0xc3: {  	v16 =	vmov s29  }
0xc4: {  	v13 =	vmul.f32 v13, v10;
	s28 =	sand.u32 $0xFFFFFF80, s29;
	v16 =	vand.u32 $0x7F, v16;
	[tilespmem:s26+$0xFFFFFFC0] =	vst v15  }
0xc5: {  	v9 =	vmul.f32 v9, v10;
	[tilespmem:s26+$0xFFFFFFD0] =	vst v14;
	v15 =	vor.u32 s28, v16  }
0xc6: {  	v8 =	vmul.f32 v8, v10;
	[tilespmem:s26+$0xFFFFFFE0] =	vst v13;
	v14 =	vbroadcast v15, $0x0  }
0xc7: {  	v7 =	vmul.f32 v7, v10;
	[tilespmem:s26+$0xFFFFFFF0] =	vst v9  }
0xc8: {  	v12 =	vmul.f32 v12, v10;
	[tilespmem:s26+$0x10] =	vst v8  }
0xc9: {  	v9 =	vmul.f32 v11, v10;
	[tilespmem:s26+$0x30] =	vst v7  }
0xca: {  	[tilespmem:s26+$0x0] =	vst v12  }
0xcb: {  	[tilespmem:s26+$0x20] =	vst v9  }
0xcc: {  	v7 =	vld.idx.msk [tilespmem:v14+s20+$0x0], $0xffff;
	_ =	sdelay $0x4  }
0xcd: {  	v7 =	vmax.f32 v7, $1.000000000e+00  }
0xce: {  	(erf) = vrcp.f32 v7;
	_ =	sdelay $0x3  }
0xcf: {  	s31 =	sadd.s32 $0x80, s26  }
0xd0: {  	v7 =	vld [tilespmem:s31+$0xFFFFFFC0]  }
0xd1: {  	v8 =	vld [tilespmem:s31+$0xFFFFFFD0]  }
0xd2: {  	v9 =	vld [tilespmem:s31+$0xFFFFFFE0]  }
0xd3: {  	v10 =	vld [tilespmem:s31+$0xFFFFFFF0]  }
0xd4: {  	v11 =	vld [tilespmem:s31+$0x0];
	v12 =	vpop (erf)  }
0xd5: {  	v13 =	vld [tilespmem:s31+$0x10];
	v7 =	vmul.f32 v12, v7  }
0xd6: {  	v14 =	vld [tilespmem:s31+$0x20];
	v8 =	vmul.f32 v8, v12  }
0xd7: {  	v15 =	vld [tilespmem:s31+$0x30];
	v9 =	vmul.f32 v9, v12;
	[tilespmem:s31+$0xFFFFFFC0] =	vst v7  }
0xd8: {  	v7 =	vmul.f32 v10, v12;
	[tilespmem:s31+$0xFFFFFFD0] =	vst v8  }
0xd9: {  	v8 =	vmul.f32 v11, v12;
	[tilespmem:s31+$0xFFFFFFE0] =	vst v9  }
0xda: {  	v9 =	vmul.f32 v13, v12;
	[tilespmem:s31+$0xFFFFFFF0] =	vst v7  }
0xdb: {  	v7 =	vmul.f32 v14, v12;
	[tilespmem:s31+$0x0] =	vst v8  }
0xdc: {  	v8 =	vmul.f32 v15, v12;
	[tilespmem:s31+$0x10] =	vst v9  }
0xdd: {  	s28 =	sadd.s32 $0x0, s14;
	[tilespmem:s31+$0x20] =	vst v7  }
0xde: {  	s30 =	simm.s32 $0x0;
	[tilespmem:s31+$0x30] =	vst v8;
	v7 =	vmov s28;
	s31 =	sand.u32 $0xFFFFFF80, s28  }
0xdf: {  	[hbm4b:s10+s30] =	stream.linear.scatter [tilespmem:s17], [sflag:$0x2], $0x5000, $0x38;
	v7 =	vand.u32 $0x7F, v7;
	[tilespmem:$0x1FB90] =	vst v63  }
0xe0: {  	_ =	swait.ge [sflag:s15], $0x5000;
	v7 =	vor.u32 s31, v7  }
0xe1: {  	[sflag:s15] =	ssyncset.done $0x0;
	v7 =	vbroadcast v7, $0x0  }
0xe2: {  	[sflag:s15] =	ssyncadd.s32 $0xFFFFB000  }
0xe3: {  	[tilespmem:s17], [sflag:$0x2] =	stream.linear.gather [spmem:s8], $0x5000, $0x38;
	[tilespmem:$0x1FB90] =	vst v63  }
0xe4: {  	_ =	swait.ge [sflag:s15], $0x5000  }
0xe5: {  	[sflag:s15] =	ssyncset.done $0x0  }
0xe6: {  	[sflag:s15] =	ssyncadd.s32 $0xFFFFB000  }
0xe7: {  	v7 =	vld.idx.msk [tilespmem:v7+s20+$0x0], $0xffff;
	_ =	sdelay $0x4  }
0xe8: {  	v7 =	vmax.f32 v7, $1.000000000e+00  }
0xe9: {  	s26 =	simm.s32 $0xE0C0;
	(erf) = vrcp.f32 v7  }
0xea: {  	v9 =	vld [tilespmem:s26+$0xFFFFFFF0]  }
0xeb: {  	v14 =	vld [tilespmem:s26+$0xFFFFFFD0]  }
0xec: {  	v15 =	vld [tilespmem:s26+$0xFFFFFFC0]  }
0xed: {  	v8 =	vld [tilespmem:s26+$0x10]  }
0xee: {  	v13 =	vld [tilespmem:s26+$0xFFFFFFE0]  }
0xef: {  	v12 =	vld [tilespmem:s26+$0x0]  }
0xf0: {  	v11 =	vld [tilespmem:s26+$0x20]  }
0xf1: {  	v7 =	vld [tilespmem:s26+$0x30]  }
0xf2: {  	v10 =	vpop (erf)  }
0xf3: {  	s29 =	sadd.s32 $0x1, s14;
	s28 =	simm.s32 $0x2;
	v15 =	vmul.f32 v10, v15;
	v14 =	vmul.f32 v14, v10  }
.LBB2_10:
0xf4: {  	p1 =	sne.s32 s28, $0x9F;
	v16 =	vmov s29;
	v13 =	vmul.f32 v13, v10;
	v9 =	vmul.f32 v9, v10  }
0xf5: {  	s29 =	sand.u32 $0xFFFFFF80, s29;
	v8 =	vmul.f32 v8, v10;
	v16 =	vand.u32 $0x7F, v16;
	[tilespmem:s26+$0xFFFFFFC0] =	vst v15;
	v12 =	vmul.f32 v12, v10  }
0xf6: {  	v7 =	vmul.f32 v7, v10;
	v15 =	vor.u32 s29, v16;
	[tilespmem:s26+$0xFFFFFFD0] =	vst v14;
	v11 =	vmul.f32 v11, v10  }
0xf7: {  	v10 =	vbroadcast v15, $0x0;
	[tilespmem:s26+$0xFFFFFFE0] =	vst v13  }
0xf8: {  	[tilespmem:s26+$0xFFFFFFF0] =	vst v9  }
0xf9: {  	[tilespmem:s26+$0x0] =	vst v12  }
0xfa: {  	[tilespmem:s26+$0x10] =	vst v8  }
0xfb: {  	[tilespmem:s26+$0x20] =	vst v11  }
0xfc: {  	[tilespmem:s26+$0x30] =	vst v7  }
0xfd: {  	v7 =	vld.idx.msk [tilespmem:v10+s20+$0x0], $0xffff;
	_ =	sdelay $0x5  }
0xfe: {  	v7 =	vmax.f32 v7, $1.000000000e+00  }
0xff: {  	s26 =	sadd.s32 $0x80, s26;
	(erf) = vrcp.f32 v7  }
0x100: {  	v9 =	vld [tilespmem:s26+$0xFFFFFFF0]  }
0x101: {  	v7 =	vld [tilespmem:s26+$0x30]  }
0x102: {  	v8 =	vld [tilespmem:s26+$0x10]  }
0x103: {  	v14 =	vld [tilespmem:s26+$0xFFFFFFD0]  }
0x104: {  	v15 =	vld [tilespmem:s26+$0xFFFFFFC0]  }
.Ltmp4:
0x105: {  	v13 =	vld [tilespmem:s26+$0xFFFFFFE0];
	(pc) =	sbr.rel @p1 .LBB2_10-.Ltmp4, $4  }
0x106: {  	v12 =	vld [tilespmem:s26+$0x0]  }
0x107: {  	v11 =	vld [tilespmem:s26+$0x20]  }
0x108: {  	v10 =	vpop (erf)  }
0x109: {  	s29 =	sadd.s32 s28, s14;
	s28 =	sadd.s32 $0x1, s28;
	v15 =	vmul.f32 v10, v15;
	v14 =	vmul.f32 v14, v10  }
0x10a: {  	v16 =	vmov s29  }
0x10b: {  	v13 =	vmul.f32 v13, v10;
	s28 =	sand.u32 $0xFFFFFF80, s29;
	v16 =	vand.u32 $0x7F, v16;
	[tilespmem:s26+$0xFFFFFFC0] =	vst v15  }
0x10c: {  	v9 =	vmul.f32 v9, v10;
	[tilespmem:s26+$0xFFFFFFD0] =	vst v14;
	v54 =	vor.u32 s28, v16  }
0x10d: {  	v8 =	vmul.f32 v8, v10;
	[tilespmem:s26+$0xFFFFFFE0] =	vst v13;
	v55 =	vbroadcast v54, $0x0  }
0x10e: {  	v7 =	vmul.f32 v7, v10;
	[tilespmem:s26+$0xFFFFFFF0] =	vst v9  }
0x10f: {  	v12 =	vmul.f32 v12, v10;
	[tilespmem:s26+$0x10] =	vst v8  }
0x110: {  	v56 =	vmul.f32 v11, v10;
	[tilespmem:s26+$0x30] =	vst v7  }
0x111: {  	[tilespmem:s26+$0x0] =	vst v12  }
0x112: {  	[tilespmem:s26+$0x20] =	vst v56  }
0x113: {  	v7 =	vld.idx.msk [tilespmem:v55+s20+$0x0], $0xffff;
	_ =	sdelay $0x4  }
0x114: {  	v7 =	vmax.f32 v7, $1.000000000e+00  }
0x115: {  	(erf) = vrcp.f32 v7;
	_ =	sdelay $0x3  }
0x116: {  	s31 =	sadd.s32 $0x80, s26  }
0x117: {  	v7 =	vld [tilespmem:s31+$0xFFFFFFC0]  }
0x118: {  	v8 =	vld [tilespmem:s31+$0xFFFFFFD0]  }
0x119: {  	v57 =	vld [tilespmem:s31+$0xFFFFFFE0]  }
0x11a: {  	v13 =	vld [tilespmem:s31+$0x10]  }
0x11b: {  	v58 =	vld [tilespmem:s31+$0xFFFFFFF0];
	v60 =	vpop (erf)  }
0x11c: {  	v59 =	vld [tilespmem:s31+$0x0];
	v7 =	vmul.f32 v60, v7  }
0x11d: {  	v61 =	vld [tilespmem:s31+$0x20];
	v8 =	vmul.f32 v8, v60  }
0x11e: {  	v62 =	vld [tilespmem:s31+$0x30];
	v9 =	vmul.f32 v57, v60;
	[tilespmem:s31+$0xFFFFFFC0] =	vst v7  }
0x11f: {  	v63 =	vmul.f32 v13, v60;
	[tilespmem:s31+$0xFFFFFFD0] =	vst v8  }
0x120: {  	v7 =	vmul.f32 v58, v60;
	[tilespmem:s31+$0xFFFFFFE0] =	vst v9  }
0x121: {  	v8 =	vmul.f32 v59, v60;
	[tilespmem:s31+$0x10] =	vst v63  }
0x122: {  	[tilespmem:s31+$0xFFFFFFF0] =	vst v7;
	v7 =	vmul.f32 v61, v60  }
0x123: {  	s25 =	sadd.s32 $0x1, s25;
	[tilespmem:s31+$0x0] =	vst v8;
	v8 =	vmul.f32 v62, v60  }
0x124: {  	p1 =	sne.s32 s25, s13;
	[tilespmem:s31+$0x20] =	vst v7  }
.Ltmp5:
0x125: {  	[tilespmem:s31+$0x30] =	vst v8;
	(pc) =	sbr.rel @p1 .LBB2_1-.Ltmp5, $4  }
0x126: {  	[hbm4b:s12+s3] =	stream.linear.scatter [tilespmem:s17], [sflag:$0x2], $0x5000, $0x38;
	[tilespmem:$0x1FB90] =	vst v63  }
0x127: {  	_ =	swait.ge [sflag:s15], $0x5000  }
0x128: {  	[sflag:s15] =	ssyncset.done $0x0  }
0x129: {  	[sflag:s15] =	ssyncadd.s32 $0xFFFFB000  }
0x12a: {  	_ =	sfence.sel $0x180000  }
0x12b: {  	[bflag:$0x0] =	sbarrier.arrive $0xFFFF  }
0x12c: {  	_ =	strace $0x90000047  }
0x12d: {  	s0 =	sadd.s32 @!p0 $0x100000, s0;
	[bflag:$0x2] =	sbarrier.arrive $0xFFFF  }
0x12e: {  	[sflag:s0] =	ssyncadd.tile.s32 @!p0 $0x1;
	_ =	shalt  }
.Lfunc_end2:
_tile_overlayer_lowered:
.L_overlay_start_2:
0x12f: {  	(tag) =	ssettag $0x2  }
0x130: {  	s0 =	rddreg [dreg:$0x0];
	s2 =	stileid.u32  }
0x131: {  	s1 =	rddreg [dreg:$0x1];
	p0 =	sne.s32 s2, $0x0  }
0x132: {  	s3 =	rddreg [dreg:$0x2];
	[bflag:$0x3] =	sbarrier.arrive $0xFFFF;
	s2 =	simm.s32 @!p0 $0x1C02  }
0x133: {  	[timem:s3], [sflag:s2] =	dma.local @!p0 [hbm:s0], s1  }
0x134: {  	s0 =	simm.s32 @!p0 $0x2  }
0x135: {  	_ =	swait.ge @!p0 [sflag:s0], s1  }
0x136: {  	s1 =	ssub.s32 @!p0 $0x0, s1;
	[sflag:s0] =	ssyncset.done @!p0 $0x0  }
0x137: {  	[sflag:s0] =	ssyncadd.s32 @!p0 s1  }
0x138: {  	[bflag:$0x3] =	sbarrier.arrive $0xFFFF  }
0x139: {  	_ =	shalt  }

</sc_bundles>
